<compile_context>
chip_gen: v7x
topology: tpu7x:2x2x1
jax: 0.10.2.dev20260603
libtpu: 0.0.44.dev20260713+nightly
codegen_flags: <defaults>
</compile_context>

<pallas_src>
import jax
import jax.numpy as jnp
from jax import lax
from jax.experimental import pallas as pl
from jax.experimental.pallas import tpu as pltpu
from jax.experimental.pallas import tpu_sc as plsc

_E = 64
_H = 768
_I = 1536
_T = 2048
_C = 64
_NSLOT = _E * _C
_DUMMY = _NSLOT
_NW = 32
_TOK_PER_W = _T // _NW
_CBLK = 256


def _router_body(x_ref, rw_ref, logits_ref, slot1_ref, slot2_ref,
                 tok2d_ref, kw2d_ref, ohsum_ref, cum_ref):
    x = x_ref[...]
    rw = rw_ref[...]
    logits = jnp.dot(x, rw, preferred_element_type=jnp.float32)
    logits_ref[...] = logits

    iota_e = lax.broadcasted_iota(jnp.int32, (_T, _E), 1)
    m1 = jnp.max(logits, axis=1, keepdims=True)
    i1 = jnp.min(jnp.where(logits == m1, iota_e, _E), axis=1, keepdims=True)
    masked = jnp.where(iota_e == i1, -jnp.inf, logits)
    m2 = jnp.max(masked, axis=1, keepdims=True)
    i2 = jnp.min(jnp.where(masked == m2, iota_e, _E), axis=1, keepdims=True)

    d = jnp.exp(m2 - m1)
    w1 = 1.0 / (1.0 + d)
    w2 = d / (1.0 + d)

    oh1 = (iota_e == i1).astype(jnp.float32)
    oh2 = (iota_e == i2).astype(jnp.float32)
    ohsum_ref[...] = oh1 + oh2

    rr = lax.broadcasted_iota(jnp.int32, (_CBLK, _CBLK), 0)
    cc = lax.broadcasted_iota(jnp.int32, (_CBLK, _CBLK), 1)
    ltri = (rr > cc).astype(jnp.float32)

    def blk(j, carry):
        ohb = ohsum_ref[pl.ds(j * _CBLK, _CBLK), :]
        cum_ref[pl.ds(j * _CBLK, _CBLK), :] = (
            jnp.dot(ltri, ohb, preferred_element_type=jnp.float32) + carry)
        return carry + jnp.sum(ohb, axis=0, keepdims=True)

    lax.fori_loop(0, _T // _CBLK, blk, jnp.zeros((1, _E), jnp.float32))

    cum = cum_ref[...]
    pos1 = jnp.sum(cum * oh1, axis=1, keepdims=True)
    pos2 = jnp.sum(cum * oh2, axis=1, keepdims=True)
    keep1 = pos1 < float(_C)
    keep2 = pos2 < float(_C)
    slot1 = jnp.where(keep1, i1 * _C + pos1.astype(jnp.int32), _DUMMY)
    slot2 = jnp.where(keep2, i2 * _C + pos2.astype(jnp.int32), _DUMMY)
    kw1 = jnp.where(keep1, w1, 0.0)
    kw2 = jnp.where(keep2, w2, 0.0)
    slot1_ref[...] = slot1
    slot2_ref[...] = slot2

    t_row = lax.broadcasted_iota(jnp.int32, (1, _T), 1)
    t_hi = (t_row // 64).astype(jnp.float32)
    t_lo = (t_row % 64).astype(jnp.float32)

    def split_rows(kw):
        w_row = jnp.reshape(kw, (1, _T))
        w_hi = w_row.astype(jnp.bfloat16).astype(jnp.float32)
        return jnp.concatenate([t_hi, t_lo, w_hi, w_row - w_hi], axis=0)

    a1 = split_rows(kw1).astype(jnp.bfloat16)
    a2 = split_rows(kw2).astype(jnp.bfloat16)
    lane512 = lax.broadcasted_iota(jnp.int32, (_T, 512), 1)
    for g in range(_NSLOT // 512):
        oh1g = (slot1 - g * 512 == lane512).astype(jnp.bfloat16)
        oh2g = (slot2 - g * 512 == lane512).astype(jnp.bfloat16)
        b = (jnp.dot(a1, oh1g, preferred_element_type=jnp.float32) +
             jnp.dot(a2, oh2g, preferred_element_type=jnp.float32))
        tok = b[0:1, :] * 64.0 + b[1:2, :]
        tok2d_ref[pl.ds(g, 1), :] = tok.astype(jnp.int32)
        kw2d_ref[pl.ds(g, 1), :] = b[2:3, :] + b[3:4, :]


def _router(x, router_w):
    return pl.pallas_call(
        _router_body,
        out_shape=[
            jax.ShapeDtypeStruct((_T, _E), jnp.float32),
            jax.ShapeDtypeStruct((_T, 1), jnp.int32),
            jax.ShapeDtypeStruct((_T, 1), jnp.int32),
            jax.ShapeDtypeStruct((_NSLOT // 512, 512), jnp.int32),
            jax.ShapeDtypeStruct((_NSLOT // 512, 512), jnp.float32),
        ],
        scratch_shapes=[
            pltpu.VMEM((_T, _E), jnp.float32),
            pltpu.VMEM((_T, _E), jnp.float32),
        ],
    )(x, router_w)


def _expert_body(tok_ref, kw_ref, x_ref, gw_ref, uw_ref, dw_ref, out_ref,
                 xg_ref):
    e = pl.program_id(0)

    @pl.when(e == _E)
    def _zero():
        out_ref[...] = jnp.zeros_like(out_ref)

    @pl.when(e < _E)
    def _compute():
        def gather_row(c, _):
            t = tok_ref[e * _C + c]
            xg_ref[pl.ds(c, 1), :] = x_ref[pl.ds(t, 1), :]
            return 0

        lax.fori_loop(0, _C, gather_row, 0)
        x = xg_ref[...].astype(jnp.bfloat16)
        gw = gw_ref[0].astype(jnp.bfloat16)
        uw = uw_ref[0].astype(jnp.bfloat16)
        dw = dw_ref[0].astype(jnp.bfloat16)
        g = jnp.dot(x, gw, preferred_element_type=jnp.float32)
        u = jnp.dot(x, uw, preferred_element_type=jnp.float32)
        a = g * (1.0 / (1.0 + jnp.exp(-g))) * u
        y = jnp.dot(a.astype(jnp.bfloat16), dw,
                    preferred_element_type=jnp.float32)
        out_ref[...] = y * kw_ref[...]


def _experts(tok_map, kwslot_col, x, gate_w, up_w, down_w):
    return pl.pallas_call(
        _expert_body,
        grid_spec=pltpu.PrefetchScalarGridSpec(
            num_scalar_prefetch=1,
            grid=(_E + 1,),
            in_specs=[
                pl.BlockSpec((_C, 1), lambda e, tok: (jnp.minimum(e, _E - 1), 0)),
                pl.BlockSpec((_T, _H), lambda e, tok: (0, 0)),
                pl.BlockSpec((1, _H, _I), lambda e, tok: (jnp.minimum(e, _E - 1), 0, 0)),
                pl.BlockSpec((1, _H, _I), lambda e, tok: (jnp.minimum(e, _E - 1), 0, 0)),
                pl.BlockSpec((1, _I, _H), lambda e, tok: (jnp.minimum(e, _E - 1), 0, 0)),
            ],
            out_specs=pl.BlockSpec((_C, _H), lambda e, tok: (e, 0)),
            scratch_shapes=[pltpu.VMEM((_C, _H), jnp.float32)],
        ),
        out_shape=jax.ShapeDtypeStruct((_NSLOT + _C, _H), jnp.float32),
        compiler_params=pltpu.CompilerParams(
            dimension_semantics=("arbitrary",)),
    )(tok_map, kwslot_col, x, gate_w, up_w, down_w)


def _combine_body(eo, s1, s2, out, idx1_v, idx2_v, r1_v, r2_v, sem1, sem2):
    wid = lax.axis_index("s") * 2 + lax.axis_index("c")
    base = wid * _TOK_PER_W
    pltpu.sync_copy(s1.at[pl.ds(base, _TOK_PER_W)], idx1_v)
    pltpu.sync_copy(s2.at[pl.ds(base, _TOK_PER_W)], idx2_v)
    c1 = pltpu.async_copy(eo.at[idx1_v], r1_v, sem1)
    c2 = pltpu.async_copy(eo.at[idx2_v], r2_v, sem2)
    c1.wait()
    c2.wait()

    def row(t, _):
        for j in range(_H // 16):
            sl = pl.ds(j * 16, 16)
            r1_v[t, sl] = r1_v[t, sl] + r2_v[t, sl]
        return 0

    lax.fori_loop(0, _TOK_PER_W, row, 0)
    pltpu.sync_copy(r1_v, out.at[pl.ds(base, _TOK_PER_W)])


def _combine(eo, slot1, slot2):
    mesh = plsc.VectorSubcoreMesh(core_axis_name="c", subcore_axis_name="s")
    f = pl.kernel(
        _combine_body,
        out_type=jax.ShapeDtypeStruct((_T, _H), jnp.float32),
        mesh=mesh,
        scratch_types=[
            pltpu.VMEM((_TOK_PER_W,), jnp.int32),
            pltpu.VMEM((_TOK_PER_W,), jnp.int32),
            pltpu.VMEM((_TOK_PER_W, _H), jnp.float32),
            pltpu.VMEM((_TOK_PER_W, _H), jnp.float32),
            pltpu.SemaphoreType.DMA,
            pltpu.SemaphoreType.DMA,
        ],
        compiler_params=pltpu.CompilerParams(needs_layout_passes=False),
    )
    return f(eo, slot1, slot2)


def kernel(hidden_states, router_w, gate_w, up_w, down_w):
    S, B, H = hidden_states.shape
    x = hidden_states.reshape(S * B, H)

    logits, slot1c, slot2c, tok2d, kw2d = _router(x, router_w)
    slot1 = slot1c.reshape(_T)
    slot2 = slot2c.reshape(_T)

    eo = _experts(tok2d.reshape(_NSLOT), kw2d.reshape(_NSLOT, 1),
                  x, gate_w, up_w, down_w)

    out = _combine(eo, slot1, slot2)
    return out.reshape(S, B, H), logits

# --- scband reference (transcript-rebuilt; emitter-appended) ---
"""Pipeline reference for scband-mo-e-17532056502437 (READ-ONLY COPY).

The authoritative reference and input builder live on the scoring server;
editing this copy changes nothing except your own understanding.
"""

import math
import jax, jax.numpy as jnp
import numpy as np

NUM_EXPERTS = 64
TOP_K = 2
HIDDEN = 768
INTER = 1536
CAP_FACTOR = 1.0
S, B = 2048, 1


def setup_inputs(seed: int = 0) -> dict:
    key = jax.random.key(seed)
    ks = jax.random.split(key, 5)
    hidden_states = jax.random.normal(ks[0], (S, B, HIDDEN), dtype=jnp.float32) * 0.02
    router_w = jax.random.normal(ks[1], (HIDDEN, NUM_EXPERTS), dtype=jnp.float32) * (1.0 / np.sqrt(HIDDEN))
    gate_w = jax.random.normal(ks[2], (NUM_EXPERTS, HIDDEN, INTER), dtype=jnp.float32) * (1.0 / np.sqrt(HIDDEN))
    up_w = jax.random.normal(ks[3], (NUM_EXPERTS, HIDDEN, INTER), dtype=jnp.float32) * (1.0 / np.sqrt(HIDDEN))
    down_w = jax.random.normal(ks[4], (NUM_EXPERTS, INTER, HIDDEN), dtype=jnp.float32) * (1.0 / np.sqrt(INTER))
    return {"hidden_states": hidden_states, "router_w": router_w, "gate_w": gate_w, "up_w": up_w, "down_w": down_w}


def _moe_forward(hidden_states, router_w, gate_w, up_w, down_w):
    S_, B_, H = hidden_states.shape
    T = S_ * B_
    E, K = NUM_EXPERTS, TOP_K
    C = int(math.ceil(T * CAP_FACTOR * K / E))  # expert capacity (token dropping past capacity)
    x = hidden_states.reshape(T, H)
    # RouterTopK
    router_logits = x @ router_w  # (T, E)
    affinities = jax.nn.softmax(router_logits.astype(jnp.float32), axis=-1)
    topk_vals, topk_idx = jax.lax.top_k(affinities, K)  # (T, K)
    # normalize_top_k_affinities=True
    topk_w = topk_vals / jnp.sum(topk_vals, axis=-1, keepdims=True)
    # ExpertMLPsCapacityFactor dispatch (token-major assignment order)
    A = T * K
    expert_flat = topk_idx.reshape(A)  # (A,) int32
    w_flat = topk_w.reshape(A)
    onehot = jax.nn.one_hot(expert_flat, E, dtype=jnp.int32)  # (A, E)
    pos = jnp.sum(jnp.cumsum(onehot, axis=0) * onehot, axis=1) - 1  # position-in-expert per assignment
    keep = (pos < C).astype(x.dtype)
    pos_c = jnp.minimum(pos, C - 1)
    x_rep = jnp.repeat(x, K, axis=0)  # (A, H)
    # scatter tokens into per-expert capacity buffers
    dispatched = jnp.zeros((E, C, H), dtype=x.dtype).at[expert_flat, pos_c].add(x_rep * keep[:, None])
    # GLU expert MLP with silu activation
    gate = jax.nn.silu(jnp.einsum('ech,ehi->eci', dispatched, gate_w))
    up = jnp.einsum('ech,ehi->eci', dispatched, up_w)
    expert_out = jnp.einsum('eci,eih->ech', gate * up, down_w)  # (E, C, H)
    # gather back and combine with normalized affinities
    gathered = expert_out[expert_flat, pos_c]  # (A, H)
    out_flat = gathered * (w_flat * keep)[:, None]
    output = out_flat.reshape(T, K, H).sum(axis=1).reshape(S_, B_, H)
    return output, router_logits


def reference(hidden_states, router_w, gate_w, up_w, down_w):
    # return_router_logits=True -> (output, router_logits)
    return _moe_forward(hidden_states, router_w, gate_w, up_w, down_w)

if __name__ == "__main__":
    import jax
    _d = setup_inputs()
    print(jax.jit(kernel)(*tuple(_d.values())))

</pallas_src>

<mosaic_0001>
#map = affine_map<(d0, d1) -> (0, 0)>
#map1 = affine_map<(d0, d1) -> (0)>
module attributes {stable_mosaic.version = 14 : i64} {
  func.func @_combine_body(%arg0: i32, %arg1: i32, %arg2: memref<4160x768xf32, #tpu.memory_space<hbm>>, %arg3: memref<2048xi32, #tpu.memory_space<hbm>>, %arg4: memref<2048xi32, #tpu.memory_space<hbm>>, %arg5: memref<2048x768xf32, #tpu.memory_space<hbm>>, %arg6: memref<64xi32, #tpu.memory_space<vmem>>, %arg7: memref<64xi32, #tpu.memory_space<vmem>>, %arg8: memref<64x768xf32, #tpu.memory_space<vmem>>, %arg9: memref<64x768xf32, #tpu.memory_space<vmem>>, %arg10: memref<!tpu.dma_semaphore, #tpu.memory_space<semaphore_mem>>, %arg11: memref<!tpu.dma_semaphore, #tpu.memory_space<semaphore_mem>>) attributes {dimension_semantics = [#tpu.dimension_semantics<core_parallel>, #tpu.dimension_semantics<subcore_parallel>], iteration_bounds = array<i64: 2, 16>, scalar_prefetch = 0 : i64, scratch_operands = 6 : i64, tpu.core_type = #tpu.core_type<sc_vector_subcore>, window_params = [{transform_indices = #map}, {transform_indices = #map1}, {transform_indices = #map1}, {transform_indices = #map}]} {
    %mul3A = arith.constant 2 : i32
    %mul3A_0 = arith.muli %arg1, %mul3A : i32
    %add3A = arith.addi %mul3A_0, %arg0 : i32
    %mul3A_1 = arith.constant 64 : i32
    %mul3A_2 = arith.muli %add3A, %mul3A_1 : i32
    "tpu.region"() ({
      %run_scoped3A = tpu.sem_alloc : memref<!tpu.dma_semaphore, #tpu.memory_space<semaphore_mem>>
      %dma_start3A_19 = tpu.memref_slice %arg3[%mul3A_2] : memref<2048xi32, #tpu.memory_space<hbm>> -> memref<64xi32, #tpu.memory_space<hbm>>
      %dma_start3A_20 = tpu.memref_slice %arg3[%mul3A_2] : memref<2048xi32, #tpu.memory_space<hbm>> -> memref<64xi32, #tpu.memory_space<hbm>>
      tpu.enqueue_dma source(%dma_start3A_20 : memref<64xi32, #tpu.memory_space<hbm>>) target(%arg6 : memref<64xi32, #tpu.memory_space<vmem>>) target_semaphore(%run_scoped3A : memref<!tpu.dma_semaphore, #tpu.memory_space<semaphore_mem>>)
      %dma_wait3A_21 = tpu.memref_slice %arg3[%mul3A_2] : memref<2048xi32, #tpu.memory_space<hbm>> -> memref<64xi32, #tpu.memory_space<hbm>>
      %dma_wait3A_22 = tpu.memref_slice %arg3[%mul3A_2] : memref<2048xi32, #tpu.memory_space<hbm>> -> memref<64xi32, #tpu.memory_space<hbm>>
      tpu.wait_dma2 semaphore(%run_scoped3A : memref<!tpu.dma_semaphore, #tpu.memory_space<semaphore_mem>>) src(%dma_wait3A_22 : memref<64xi32, #tpu.memory_space<hbm>>) dst(%arg6 : memref<64xi32, #tpu.memory_space<vmem>>)
      tpu.yield
    }) : () -> ()
    "tpu.region"() ({
      %run_scoped3A = tpu.sem_alloc : memref<!tpu.dma_semaphore, #tpu.memory_space<semaphore_mem>>
      %dma_start3A_19 = tpu.memref_slice %arg4[%mul3A_2] : memref<2048xi32, #tpu.memory_space<hbm>> -> memref<64xi32, #tpu.memory_space<hbm>>
      %dma_start3A_20 = tpu.memref_slice %arg4[%mul3A_2] : memref<2048xi32, #tpu.memory_space<hbm>> -> memref<64xi32, #tpu.memory_space<hbm>>
      tpu.enqueue_dma source(%dma_start3A_20 : memref<64xi32, #tpu.memory_space<hbm>>) target(%arg7 : memref<64xi32, #tpu.memory_space<vmem>>) target_semaphore(%run_scoped3A : memref<!tpu.dma_semaphore, #tpu.memory_space<semaphore_mem>>)
      %dma_wait3A_21 = tpu.memref_slice %arg4[%mul3A_2] : memref<2048xi32, #tpu.memory_space<hbm>> -> memref<64xi32, #tpu.memory_space<hbm>>
      %dma_wait3A_22 = tpu.memref_slice %arg4[%mul3A_2] : memref<2048xi32, #tpu.memory_space<hbm>> -> memref<64xi32, #tpu.memory_space<hbm>>
      tpu.wait_dma2 semaphore(%run_scoped3A : memref<!tpu.dma_semaphore, #tpu.memory_space<semaphore_mem>>) src(%dma_wait3A_22 : memref<64xi32, #tpu.memory_space<hbm>>) dst(%arg7 : memref<64xi32, #tpu.memory_space<vmem>>)
      tpu.yield
    }) : () -> ()
    %dma_start3A = arith.constant 0 : i32
    %dma_start3A_3 = arith.constant 0 : i32
    %dma_start3A_4 = tpu.memref_slice %arg2[%dma_start3A, %dma_start3A_3] : memref<4160x768xf32, #tpu.memory_space<hbm>> -> memref<4160x768xf32, #tpu.memory_space<hbm>>
    tpu.enqueue_indirect_dma source(%dma_start3A_4 : memref<4160x768xf32, #tpu.memory_space<hbm>>) target(%arg8 : memref<64x768xf32, #tpu.memory_space<vmem>>) offsets(%arg6 : memref<64xi32, #tpu.memory_space<vmem>>) semaphore(%arg10 : memref<!tpu.dma_semaphore, #tpu.memory_space<semaphore_mem>>)
    %dma_start3A_5 = arith.constant 0 : i32
    %dma_start3A_6 = arith.constant 0 : i32
    %dma_start3A_7 = tpu.memref_slice %arg2[%dma_start3A_5, %dma_start3A_6] : memref<4160x768xf32, #tpu.memory_space<hbm>> -> memref<4160x768xf32, #tpu.memory_space<hbm>>
    tpu.enqueue_indirect_dma source(%dma_start3A_7 : memref<4160x768xf32, #tpu.memory_space<hbm>>) target(%arg9 : memref<64x768xf32, #tpu.memory_space<vmem>>) offsets(%arg7 : memref<64xi32, #tpu.memory_space<vmem>>) semaphore(%arg11 : memref<!tpu.dma_semaphore, #tpu.memory_space<semaphore_mem>>)
    %dma_wait3A = arith.constant 0 : i32
    %dma_wait3A_8 = arith.constant 0 : i32
    %dma_wait3A_9 = tpu.memref_slice %arg2[%dma_wait3A, %dma_wait3A_8] : memref<4160x768xf32, #tpu.memory_space<hbm>> -> memref<4160x768xf32, #tpu.memory_space<hbm>>
    tpu.wait_indirect_dma semaphore(%arg10 : memref<!tpu.dma_semaphore, #tpu.memory_space<semaphore_mem>>) src(%dma_wait3A_9 : memref<4160x768xf32, #tpu.memory_space<hbm>>) dst(%arg8 : memref<64x768xf32, #tpu.memory_space<vmem>>)
    %dma_wait3A_10 = arith.constant 0 : i32
    %dma_wait3A_11 = arith.constant 0 : i32
    %dma_wait3A_12 = tpu.memref_slice %arg2[%dma_wait3A_10, %dma_wait3A_11] : memref<4160x768xf32, #tpu.memory_space<hbm>> -> memref<4160x768xf32, #tpu.memory_space<hbm>>
    tpu.wait_indirect_dma semaphore(%arg11 : memref<!tpu.dma_semaphore, #tpu.memory_space<semaphore_mem>>) src(%dma_wait3A_12 : memref<4160x768xf32, #tpu.memory_space<hbm>>) dst(%arg9 : memref<64x768xf32, #tpu.memory_space<vmem>>)
    %scan3A = arith.constant 0 : i32
    %scan3A_13 = arith.constant 0 : i32
    %scan3A_14 = arith.constant 64 : i32
    %scan3A_15 = arith.addi %scan3A_13, %scan3A_14 : i32
    %scan3A_16 = arith.constant 1 : i32
    %scan3A_17 = scf.for %scan3A_19 = %scan3A_13 to %scan3A_15 step %scan3A_16 iter_args(%scan3A_20 = %scan3A) -> (i32)  : i32 {
      %get3A = arith.index_cast %scan3A_19 : i32 to index
      %get3A_21 = arith.constant 0 : index
      %get3A_22 = tpu.vector_load %arg8[%get3A, %get3A_21] {strides = array<i32>} : memref<64x768xf32, #tpu.memory_space<vmem>>, vector<16xf32>,
      %get3A_23 = arith.index_cast %scan3A_19 : i32 to index
      %get3A_24 = arith.constant 0 : index
      %get3A_25 = tpu.vector_load %arg9[%get3A_23, %get3A_24] {strides = array<i32>} : memref<64x768xf32, #tpu.memory_space<vmem>>, vector<16xf32>,
      %add3A_26 = arith.addf %get3A_22, %get3A_25 : vector<16xf32>
      %swap3A = arith.index_cast %scan3A_19 : i32 to index
      %swap3A_27 = arith.constant 0 : index
      %swap3A_28 = tpu.vector_load %arg8[%swap3A, %swap3A_27] {strides = array<i32>} : memref<64x768xf32, #tpu.memory_space<vmem>>, vector<16xf32>,
      tpu.vector_store %arg8[%swap3A, %swap3A_27], %add3A_26 {strides = array<i32>} : memref<64x768xf32, #tpu.memory_space<vmem>>, vector<16xf32>,
      %get3A_29 = arith.index_cast %scan3A_19 : i32 to index
      %get3A_30 = arith.constant 16 : index
      %get3A_31 = tpu.vector_load %arg8[%get3A_29, %get3A_30] {strides = array<i32>} : memref<64x768xf32, #tpu.memory_space<vmem>>, vector<16xf32>,
      %get3A_32 = arith.index_cast %scan3A_19 : i32 to index
      %get3A_33 = arith.constant 16 : index
      %get3A_34 = tpu.vector_load %arg9[%get3A_32, %get3A_33] {strides = array<i32>} : memref<64x768xf32, #tpu.memory_space<vmem>>, vector<16xf32>,
      %add3A_35 = arith.addf %get3A_31, %get3A_34 : vector<16xf32>
      %swap3A_36 = arith.index_cast %scan3A_19 : i32 to index
      %swap3A_37 = arith.constant 16 : index
      %swap3A_38 = tpu.vector_load %arg8[%swap3A_36, %swap3A_37] {strides = array<i32>} : memref<64x768xf32, #tpu.memory_space<vmem>>, vector<16xf32>,
      tpu.vector_store %arg8[%swap3A_36, %swap3A_37], %add3A_35 {strides = array<i32>} : memref<64x768xf32, #tpu.memory_space<vmem>>, vector<16xf32>,
      %get3A_39 = arith.index_cast %scan3A_19 : i32 to index
      %get3A_40 = arith.constant 32 : index
      %get3A_41 = tpu.vector_load %arg8[%get3A_39, %get3A_40] {strides = array<i32>} : memref<64x768xf32, #tpu.memory_space<vmem>>, vector<16xf32>,
      %get3A_42 = arith.index_cast %scan3A_19 : i32 to index
      %get3A_43 = arith.constant 32 : index
      %get3A_44 = tpu.vector_load %arg9[%get3A_42, %get3A_43] {strides = array<i32>} : memref<64x768xf32, #tpu.memory_space<vmem>>, vector<16xf32>,
      %add3A_45 = arith.addf %get3A_41, %get3A_44 : vector<16xf32>
      %swap3A_46 = arith.index_cast %scan3A_19 : i32 to index
      %swap3A_47 = arith.constant 32 : index
      %swap3A_48 = tpu.vector_load %arg8[%swap3A_46, %swap3A_47] {strides = array<i32>} : memref<64x768xf32, #tpu.memory_space<vmem>>, vector<16xf32>,
      tpu.vector_store %arg8[%swap3A_46, %swap3A_47], %add3A_45 {strides = array<i32>} : memref<64x768xf32, #tpu.memory_space<vmem>>, vector<16xf32>,
      %get3A_49 = arith.index_cast %scan3A_19 : i32 to index
      %get3A_50 = arith.constant 48 : index
      %get3A_51 = tpu.vector_load %arg8[%get3A_49, %get3A_50] {strides = array<i32>} : memref<64x768xf32, #tpu.memory_space<vmem>>, vector<16xf32>,
      %get3A_52 = arith.index_cast %scan3A_19 : i32 to index
      %get3A_53 = arith.constant 48 : index
      %get3A_54 = tpu.vector_load %arg9[%get3A_52, %get3A_53] {strides = array<i32>} : memref<64x768xf32, #tpu.memory_space<vmem>>, vector<16xf32>,
      %add3A_55 = arith.addf %get3A_51, %get3A_54 : vector<16xf32>
      %swap3A_56 = arith.index_cast %scan3A_19 : i32 to index
      %swap3A_57 = arith.constant 48 : index
      %swap3A_58 = tpu.vector_load %arg8[%swap3A_56, %swap3A_57] {strides = array<i32>} : memref<64x768xf32, #tpu.memory_space<vmem>>, vector<16xf32>,
      tpu.vector_store %arg8[%swap3A_56, %swap3A_57], %add3A_55 {strides = array<i32>} : memref<64x768xf32, #tpu.memory_space<vmem>>, vector<16xf32>,
      %get3A_59 = arith.index_cast %scan3A_19 : i32 to index
      %get3A_60 = arith.constant 64 : index
      %get3A_61 = tpu.vector_load %arg8[%get3A_59, %get3A_60] {strides = array<i32>} : memref<64x768xf32, #tpu.memory_space<vmem>>, vector<16xf32>,
      %get3A_62 = arith.index_cast %scan3A_19 : i32 to index
      %get3A_63 = arith.constant 64 : index
      %get3A_64 = tpu.vector_load %arg9[%get3A_62, %get3A_63] {strides = array<i32>} : memref<64x768xf32, #tpu.memory_space<vmem>>, vector<16xf32>,
      %add3A_65 = arith.addf %get3A_61, %get3A_64 : vector<16xf32>
      %swap3A_66 = arith.index_cast %scan3A_19 : i32 to index
      %swap3A_67 = arith.constant 64 : index
      %swap3A_68 = tpu.vector_load %arg8[%swap3A_66, %swap3A_67] {strides = array<i32>} : memref<64x768xf32, #tpu.memory_space<vmem>>, vector<16xf32>,
      tpu.vector_store %arg8[%swap3A_66, %swap3A_67], %add3A_65 {strides = array<i32>} : memref<64x768xf32, #tpu.memory_space<vmem>>, vector<16xf32>,
      %get3A_69 = arith.index_cast %scan3A_19 : i32 to index
      %get3A_70 = arith.constant 80 : index
      %get3A_71 = tpu.vector_load %arg8[%get3A_69, %get3A_70] {strides = array<i32>} : memref<64x768xf32, #tpu.memory_space<vmem>>, vector<16xf32>,
      %get3A_72 = arith.index_cast %scan3A_19 : i32 to index
      %get3A_73 = arith.constant 80 : index
      %get3A_74 = tpu.vector_load %arg9[%get3A_72, %get3A_73] {strides = array<i32>} : memref<64x768xf32, #tpu.memory_space<vmem>>, vector<16xf32>,
      %add3A_75 = arith.addf %get3A_71, %get3A_74 : vector<16xf32>
      %swap3A_76 = arith.index_cast %scan3A_19 : i32 to index
      %swap3A_77 = arith.constant 80 : index
      %swap3A_78 = tpu.vector_load %arg8[%swap3A_76, %swap3A_77] {strides = array<i32>} : memref<64x768xf32, #tpu.memory_space<vmem>>, vector<16xf32>,
      tpu.vector_store %arg8[%swap3A_76, %swap3A_77], %add3A_75 {strides = array<i32>} : memref<64x768xf32, #tpu.memory_space<vmem>>, vector<16xf32>,
      %get3A_79 = arith.index_cast %scan3A_19 : i32 to index
      %get3A_80 = arith.constant 96 : index
      %get3A_81 = tpu.vector_load %arg8[%get3A_79, %get3A_80] {strides = array<i32>} : memref<64x768xf32, #tpu.memory_space<vmem>>, vector<16xf32>,
      %get3A_82 = arith.index_cast %scan3A_19 : i32 to index
      %get3A_83 = arith.constant 96 : index
      %get3A_84 = tpu.vector_load %arg9[%get3A_82, %get3A_83] {strides = array<i32>} : memref<64x768xf32, #tpu.memory_space<vmem>>, vector<16xf32>,
      %add3A_85 = arith.addf %get3A_81, %get3A_84 : vector<16xf32>
      %swap3A_86 = arith.index_cast %scan3A_19 : i32 to index
      %swap3A_87 = arith.constant 96 : index
      %swap3A_88 = tpu.vector_load %arg8[%swap3A_86, %swap3A_87] {strides = array<i32>} : memref<64x768xf32, #tpu.memory_space<vmem>>, vector<16xf32>,
      tpu.vector_store %arg8[%swap3A_86, %swap3A_87], %add3A_85 {strides = array<i32>} : memref<64x768xf32, #tpu.memory_space<vmem>>, vector<16xf32>,
      %get3A_89 = arith.index_cast %scan3A_19 : i32 to index
      %get3A_90 = arith.constant 112 : index
      %get3A_91 = tpu.vector_load %arg8[%get3A_89, %get3A_90] {strides = array<i32>} : memref<64x768xf32, #tpu.memory_space<vmem>>, vector<16xf32>,
      %get3A_92 = arith.index_cast %scan3A_19 : i32 to index
      %get3A_93 = arith.constant 112 : index
      %get3A_94 = tpu.vector_load %arg9[%get3A_92, %get3A_93] {strides = array<i32>} : memref<64x768xf32, #tpu.memory_space<vmem>>, vector<16xf32>,
      %add3A_95 = arith.addf %get3A_91, %get3A_94 : vector<16xf32>
      %swap3A_96 = arith.index_cast %scan3A_19 : i32 to index
      %swap3A_97 = arith.constant 112 : index
      %swap3A_98 = tpu.vector_load %arg8[%swap3A_96, %swap3A_97] {strides = array<i32>} : memref<64x768xf32, #tpu.memory_space<vmem>>, vector<16xf32>,
      tpu.vector_store %arg8[%swap3A_96, %swap3A_97], %add3A_95 {strides = array<i32>} : memref<64x768xf32, #tpu.memory_space<vmem>>, vector<16xf32>,
      %get3A_99 = arith.index_cast %scan3A_19 : i32 to index
      %get3A_100 = arith.constant 128 : index
      %get3A_101 = tpu.vector_load %arg8[%get3A_99, %get3A_100] {strides = array<i32>} : memref<64x768xf32, #tpu.memory_space<vmem>>, vector<16xf32>,
      %get3A_102 = arith.index_cast %scan3A_19 : i32 to index
      %get3A_103 = arith.constant 128 : index
      %get3A_104 = tpu.vector_load %arg9[%get3A_102, %get3A_103] {strides = array<i32>} : memref<64x768xf32, #tpu.memory_space<vmem>>, vector<16xf32>,
      %add3A_105 = arith.addf %get3A_101, %get3A_104 : vector<16xf32>
      %swap3A_106 = arith.index_cast %scan3A_19 : i32 to index
      %swap3A_107 = arith.constant 128 : index
      %swap3A_108 = tpu.vector_load %arg8[%swap3A_106, %swap3A_107] {strides = array<i32>} : memref<64x768xf32, #tpu.memory_space<vmem>>, vector<16xf32>,
      tpu.vector_store %arg8[%swap3A_106, %swap3A_107], %add3A_105 {strides = array<i32>} : memref<64x768xf32, #tpu.memory_space<vmem>>, vector<16xf32>,
      %get3A_109 = arith.index_cast %scan3A_19 : i32 to index
      %get3A_110 = arith.constant 144 : index
      %get3A_111 = tpu.vector_load %arg8[%get3A_109, %get3A_110] {strides = array<i32>} : memref<64x768xf32, #tpu.memory_space<vmem>>, vector<16xf32>,
      %get3A_112 = arith.index_cast %scan3A_19 : i32 to index
      %get3A_113 = arith.constant 144 : index
      %get3A_114 = tpu.vector_load %arg9[%get3A_112, %get3A_113] {strides = array<i32>} : memref<64x768xf32, #tpu.memory_space<vmem>>, vector<16xf32>,
      %add3A_115 = arith.addf %get3A_111, %get3A_114 : vector<16xf32>
      %swap3A_116 = arith.index_cast %scan3A_19 : i32 to index
      %swap3A_117 = arith.constant 144 : index
      %swap3A_118 = tpu.vector_load %arg8[%swap3A_116, %swap3A_117] {strides = array<i32>} : memref<64x768xf32, #tpu.memory_space<vmem>>, vector<16xf32>,
      tpu.vector_store %arg8[%swap3A_116, %swap3A_117], %add3A_115 {strides = array<i32>} : memref<64x768xf32, #tpu.memory_space<vmem>>, vector<16xf32>,
      %get3A_119 = arith.index_cast %scan3A_19 : i32 to index
      %get3A_120 = arith.constant 160 : index
      %get3A_121 = tpu.vector_load %arg8[%get3A_119, %get3A_120] {strides = array<i32>} : memref<64x768xf32, #tpu.memory_space<vmem>>, vector<16xf32>,
      %get3A_122 = arith.index_cast %scan3A_19 : i32 to index
      %get3A_123 = arith.constant 160 : index
      %get3A_124 = tpu.vector_load %arg9[%get3A_122, %get3A_123] {strides = array<i32>} : memref<64x768xf32, #tpu.memory_space<vmem>>, vector<16xf32>,
      %add3A_125 = arith.addf %get3A_121, %get3A_124 : vector<16xf32>
      %swap3A_126 = arith.index_cast %scan3A_19 : i32 to index
      %swap3A_127 = arith.constant 160 : index
      %swap3A_128 = tpu.vector_load %arg8[%swap3A_126, %swap3A_127] {strides = array<i32>} : memref<64x768xf32, #tpu.memory_space<vmem>>, vector<16xf32>,
      tpu.vector_store %arg8[%swap3A_126, %swap3A_127], %add3A_125 {strides = array<i32>} : memref<64x768xf32, #tpu.memory_space<vmem>>, vector<16xf32>,
      %get3A_129 = arith.index_cast %scan3A_19 : i32 to index
      %get3A_130 = arith.constant 176 : index
      %get3A_131 = tpu.vector_load %arg8[%get3A_129, %get3A_130] {strides = array<i32>} : memref<64x768xf32, #tpu.memory_space<vmem>>, vector<16xf32>,
      %get3A_132 = arith.index_cast %scan3A_19 : i32 to index
      %get3A_133 = arith.constant 176 : index
      %get3A_134 = tpu.vector_load %arg9[%get3A_132, %get3A_133] {strides = array<i32>} : memref<64x768xf32, #tpu.memory_space<vmem>>, vector<16xf32>,
      %add3A_135 = arith.addf %get3A_131, %get3A_134 : vector<16xf32>
      %swap3A_136 = arith.index_cast %scan3A_19 : i32 to index
      %swap3A_137 = arith.constant 176 : index
      %swap3A_138 = tpu.vector_load %arg8[%swap3A_136, %swap3A_137] {strides = array<i32>} : memref<64x768xf32, #tpu.memory_space<vmem>>, vector<16xf32>,
      tpu.vector_store %arg8[%swap3A_136, %swap3A_137], %add3A_135 {strides = array<i32>} : memref<64x768xf32, #tpu.memory_space<vmem>>, vector<16xf32>,
      %get3A_139 = arith.index_cast %scan3A_19 : i32 to index
      %get3A_140 = arith.constant 192 : index
      %get3A_141 = tpu.vector_load %arg8[%get3A_139, %get3A_140] {strides = array<i32>} : memref<64x768xf32, #tpu.memory_space<vmem>>, vector<16xf32>,
      %get3A_142 = arith.index_cast %scan3A_19 : i32 to index
      %get3A_143 = arith.constant 192 : index
      %get3A_144 = tpu.vector_load %arg9[%get3A_142, %get3A_143] {strides = array<i32>} : memref<64x768xf32, #tpu.memory_space<vmem>>, vector<16xf32>,
      %add3A_145 = arith.addf %get3A_141, %get3A_144 : vector<16xf32>
      %swap3A_146 = arith.index_cast %scan3A_19 : i32 to index
      %swap3A_147 = arith.constant 192 : index
      %swap3A_148 = tpu.vector_load %arg8[%swap3A_146, %swap3A_147] {strides = array<i32>} : memref<64x768xf32, #tpu.memory_space<vmem>>, vector<16xf32>,
      tpu.vector_store %arg8[%swap3A_146, %swap3A_147], %add3A_145 {strides = array<i32>} : memref<64x768xf32, #tpu.memory_space<vmem>>, vector<16xf32>,
      %get3A_149 = arith.index_cast %scan3A_19 : i32 to index
      %get3A_150 = arith.constant 208 : index
      %get3A_151 = tpu.vector_load %arg8[%get3A_149, %get3A_150] {strides = array<i32>} : memref<64x768xf32, #tpu.memory_space<vmem>>, vector<16xf32>,
      %get3A_152 = arith.index_cast %scan3A_19 : i32 to index
      %get3A_153 = arith.constant 208 : index
      %get3A_154 = tpu.vector_load %arg9[%get3A_152, %get3A_153] {strides = array<i32>} : memref<64x768xf32, #tpu.memory_space<vmem>>, vector<16xf32>,
      %add3A_155 = arith.addf %get3A_151, %get3A_154 : vector<16xf32>
      %swap3A_156 = arith.index_cast %scan3A_19 : i32 to index
      %swap3A_157 = arith.constant 208 : index
      %swap3A_158 = tpu.vector_load %arg8[%swap3A_156, %swap3A_157] {strides = array<i32>} : memref<64x768xf32, #tpu.memory_space<vmem>>, vector<16xf32>,
      tpu.vector_store %arg8[%swap3A_156, %swap3A_157], %add3A_155 {strides = array<i32>} : memref<64x768xf32, #tpu.memory_space<vmem>>, vector<16xf32>,
      %get3A_159 = arith.index_cast %scan3A_19 : i32 to index
      %get3A_160 = arith.constant 224 : index
      %get3A_161 = tpu.vector_load %arg8[%get3A_159, %get3A_160] {strides = array<i32>} : memref<64x768xf32, #tpu.memory_space<vmem>>, vector<16xf32>,
      %get3A_162 = arith.index_cast %scan3A_19 : i32 to index
      %get3A_163 = arith.constant 224 : index
      %get3A_164 = tpu.vector_load %arg9[%get3A_162, %get3A_163] {strides = array<i32>} : memref<64x768xf32, #tpu.memory_space<vmem>>, vector<16xf32>,
      %add3A_165 = arith.addf %get3A_161, %get3A_164 : vector<16xf32>
      %swap3A_166 = arith.index_cast %scan3A_19 : i32 to index
      %swap3A_167 = arith.constant 224 : index
      %swap3A_168 = tpu.vector_load %arg8[%swap3A_166, %swap3A_167] {strides = array<i32>} : memref<64x768xf32, #tpu.memory_space<vmem>>, vector<16xf32>,
      tpu.vector_store %arg8[%swap3A_166, %swap3A_167], %add3A_165 {strides = array<i32>} : memref<64x768xf32, #tpu.memory_space<vmem>>, vector<16xf32>,
      %get3A_169 = arith.index_cast %scan3A_19 : i32 to index
      %get3A_170 = arith.constant 240 : index
      %get3A_171 = tpu.vector_load %arg8[%get3A_169, %get3A_170] {strides = array<i32>} : memref<64x768xf32, #tpu.memory_space<vmem>>, vector<16xf32>,
      %get3A_172 = arith.index_cast %scan3A_19 : i32 to index
      %get3A_173 = arith.constant 240 : index
      %get3A_174 = tpu.vector_load %arg9[%get3A_172, %get3A_173] {strides = array<i32>} : memref<64x768xf32, #tpu.memory_space<vmem>>, vector<16xf32>,
      %add3A_175 = arith.addf %get3A_171, %get3A_174 : vector<16xf32>
      %swap3A_176 = arith.index_cast %scan3A_19 : i32 to index
      %swap3A_177 = arith.constant 240 : index
      %swap3A_178 = tpu.vector_load %arg8[%swap3A_176, %swap3A_177] {strides = array<i32>} : memref<64x768xf32, #tpu.memory_space<vmem>>, vector<16xf32>,
      tpu.vector_store %arg8[%swap3A_176, %swap3A_177], %add3A_175 {strides = array<i32>} : memref<64x768xf32, #tpu.memory_space<vmem>>, vector<16xf32>,
      %get3A_179 = arith.index_cast %scan3A_19 : i32 to index
      %get3A_180 = arith.constant 256 : index
      %get3A_181 = tpu.vector_load %arg8[%get3A_179, %get3A_180] {strides = array<i32>} : memref<64x768xf32, #tpu.memory_space<vmem>>, vector<16xf32>,
      %get3A_182 = arith.index_cast %scan3A_19 : i32 to index
      %get3A_183 = arith.constant 256 : index
      %get3A_184 = tpu.vector_load %arg9[%get3A_182, %get3A_183] {strides = array<i32>} : memref<64x768xf32, #tpu.memory_space<vmem>>, vector<16xf32>,
      %add3A_185 = arith.addf %get3A_181, %get3A_184 : vector<16xf32>
      %swap3A_186 = arith.index_cast %scan3A_19 : i32 to index
      %swap3A_187 = arith.constant 256 : index
      %swap3A_188 = tpu.vector_load %arg8[%swap3A_186, %swap3A_187] {strides = array<i32>} : memref<64x768xf32, #tpu.memory_space<vmem>>, vector<16xf32>,
      tpu.vector_store %arg8[%swap3A_186, %swap3A_187], %add3A_185 {strides = array<i32>} : memref<64x768xf32, #tpu.memory_space<vmem>>, vector<16xf32>,
      %get3A_189 = arith.index_cast %scan3A_19 : i32 to index
      %get3A_190 = arith.constant 272 : index
      %get3A_191 = tpu.vector_load %arg8[%get3A_189, %get3A_190] {strides = array<i32>} : memref<64x768xf32, #tpu.memory_space<vmem>>, vector<16xf32>,
      %get3A_192 = arith.index_cast %scan3A_19 : i32 to index
      %get3A_193 = arith.constant 272 : index
      %get3A_194 = tpu.vector_load %arg9[%get3A_192, %get3A_193] {strides = array<i32>} : memref<64x768xf32, #tpu.memory_space<vmem>>, vector<16xf32>,
      %add3A_195 = arith.addf %get3A_191, %get3A_194 : vector<16xf32>
      %swap3A_196 = arith.index_cast %scan3A_19 : i32 to index
      %swap3A_197 = arith.constant 272 : index
      %swap3A_198 = tpu.vector_load %arg8[%swap3A_196, %swap3A_197] {strides = array<i32>} : memref<64x768xf32, #tpu.memory_space<vmem>>, vector<16xf32>,
      tpu.vector_store %arg8[%swap3A_196, %swap3A_197], %add3A_195 {strides = array<i32>} : memref<64x768xf32, #tpu.memory_space<vmem>>, vector<16xf32>,
      %get3A_199 = arith.index_cast %scan3A_19 : i32 to index
      %get3A_200 = arith.constant 288 : index
      %get3A_201 = tpu.vector_load %arg8[%get3A_199, %get3A_200] {strides = array<i32>} : memref<64x768xf32, #tpu.memory_space<vmem>>, vector<16xf32>,
      %get3A_202 = arith.index_cast %scan3A_19 : i32 to index
      %get3A_203 = arith.constant 288 : index
      %get3A_204 = tpu.vector_load %arg9[%get3A_202, %get3A_203] {strides = array<i32>} : memref<64x768xf32, #tpu.memory_space<vmem>>, vector<16xf32>,
      %add3A_205 = arith.addf %get3A_201, %get3A_204 : vector<16xf32>
      %swap3A_206 = arith.index_cast %scan3A_19 : i32 to index
      %swap3A_207 = arith.constant 288 : index
      %swap3A_208 = tpu.vector_load %arg8[%swap3A_206, %swap3A_207] {strides = array<i32>} : memref<64x768xf32, #tpu.memory_space<vmem>>, vector<16xf32>,
      tpu.vector_store %arg8[%swap3A_206, %swap3A_207], %add3A_205 {strides = array<i32>} : memref<64x768xf32, #tpu.memory_space<vmem>>, vector<16xf32>,
      %get3A_209 = arith.index_cast %scan3A_19 : i32 to index
      %get3A_210 = arith.constant 304 : index
      %get3A_211 = tpu.vector_load %arg8[%get3A_209, %get3A_210] {strides = array<i32>} : memref<64x768xf32, #tpu.memory_space<vmem>>, vector<16xf32>,
      %get3A_212 = arith.index_cast %scan3A_19 : i32 to index
      %get3A_213 = arith.constant 304 : index
      %get3A_214 = tpu.vector_load %arg9[%get3A_212, %get3A_213] {strides = array<i32>} : memref<64x768xf32, #tpu.memory_space<vmem>>, vector<16xf32>,
      %add3A_215 = arith.addf %get3A_211, %get3A_214 : vector<16xf32>
      %swap3A_216 = arith.index_cast %scan3A_19 : i32 to index
      %swap3A_217 = arith.constant 304 : index
      %swap3A_218 = tpu.vector_load %arg8[%swap3A_216, %swap3A_217] {strides = array<i32>} : memref<64x768xf32, #tpu.memory_space<vmem>>, vector<16xf32>,
      tpu.vector_store %arg8[%swap3A_216, %swap3A_217], %add3A_215 {strides = array<i32>} : memref<64x768xf32, #tpu.memory_space<vmem>>, vector<16xf32>,
      %get3A_219 = arith.index_cast %scan3A_19 : i32 to index
      %get3A_220 = arith.constant 320 : index
      %get3A_221 = tpu.vector_load %arg8[%get3A_219, %get3A_220] {strides = array<i32>} : memref<64x768xf32, #tpu.memory_space<vmem>>, vector<16xf32>,
      %get3A_222 = arith.index_cast %scan3A_19 : i32 to index
      %get3A_223 = arith.constant 320 : index
      %get3A_224 = tpu.vector_load %arg9[%get3A_222, %get3A_223] {strides = array<i32>} : memref<64x768xf32, #tpu.memory_space<vmem>>, vector<16xf32>,
      %add3A_225 = arith.addf %get3A_221, %get3A_224 : vector<16xf32>
      %swap3A_226 = arith.index_cast %scan3A_19 : i32 to index
      %swap3A_227 = arith.constant 320 : index
      %swap3A_228 = tpu.vector_load %arg8[%swap3A_226, %swap3A_227] {strides = array<i32>} : memref<64x768xf32, #tpu.memory_space<vmem>>, vector<16xf32>,
      tpu.vector_store %arg8[%swap3A_226, %swap3A_227], %add3A_225 {strides = array<i32>} : memref<64x768xf32, #tpu.memory_space<vmem>>, vector<16xf32>,
      %get3A_229 = arith.index_cast %scan3A_19 : i32 to index
      %get3A_230 = arith.constant 336 : index
      %get3A_231 = tpu.vector_load %arg8[%get3A_229, %get3A_230] {strides = array<i32>} : memref<64x768xf32, #tpu.memory_space<vmem>>, vector<16xf32>,
      %get3A_232 = arith.index_cast %scan3A_19 : i32 to index
      %get3A_233 = arith.constant 336 : index
      %get3A_234 = tpu.vector_load %arg9[%get3A_232, %get3A_233] {strides = array<i32>} : memref<64x768xf32, #tpu.memory_space<vmem>>, vector<16xf32>,
      %add3A_235 = arith.addf %get3A_231, %get3A_234 : vector<16xf32>
      %swap3A_236 = arith.index_cast %scan3A_19 : i32 to index
      %swap3A_237 = arith.constant 336 : index
      %swap3A_238 = tpu.vector_load %arg8[%swap3A_236, %swap3A_237] {strides = array<i32>} : memref<64x768xf32, #tpu.memory_space<vmem>>, vector<16xf32>,
      tpu.vector_store %arg8[%swap3A_236, %swap3A_237], %add3A_235 {strides = array<i32>} : memref<64x768xf32, #tpu.memory_space<vmem>>, vector<16xf32>,
      %get3A_239 = arith.index_cast %scan3A_19 : i32 to index
      %get3A_240 = arith.constant 352 : index
      %get3A_241 = tpu.vector_load %arg8[%get3A_239, %get3A_240] {strides = array<i32>} : memref<64x768xf32, #tpu.memory_space<vmem>>, vector<16xf32>,
      %get3A_242 = arith.index_cast %scan3A_19 : i32 to index
      %get3A_243 = arith.constant 352 : index
      %get3A_244 = tpu.vector_load %arg9[%get3A_242, %get3A_243] {strides = array<i32>} : memref<64x768xf32, #tpu.memory_space<vmem>>, vector<16xf32>,
      %add3A_245 = arith.addf %get3A_241, %get3A_244 : vector<16xf32>
      %swap3A_246 = arith.index_cast %scan3A_19 : i32 to index
      %swap3A_247 = arith.constant 352 : index
      %swap3A_248 = tpu.vector_load %arg8[%swap3A_246, %swap3A_247] {strides = array<i32>} : memref<64x768xf32, #tpu.memory_space<vmem>>, vector<16xf32>,
      tpu.vector_store %arg8[%swap3A_246, %swap3A_247], %add3A_245 {strides = array<i32>} : memref<64x768xf32, #tpu.memory_space<vmem>>, vector<16xf32>,
      %get3A_249 = arith.index_cast %scan3A_19 : i32 to index
      %get3A_250 = arith.constant 368 : index
      %get3A_251 = tpu.vector_load %arg8[%get3A_249, %get3A_250] {strides = array<i32>} : memref<64x768xf32, #tpu.memory_space<vmem>>, vector<16xf32>,
      %get3A_252 = arith.index_cast %scan3A_19 : i32 to index
      %get3A_253 = arith.constant 368 : index
      %get3A_254 = tpu.vector_load %arg9[%get3A_252, %get3A_253] {strides = array<i32>} : memref<64x768xf32, #tpu.memory_space<vmem>>, vector<16xf32>,
      %add3A_255 = arith.addf %get3A_251, %get3A_254 : vector<16xf32>
      %swap3A_256 = arith.index_cast %scan3A_19 : i32 to index
      %swap3A_257 = arith.constant 368 : index
      %swap3A_258 = tpu.vector_load %arg8[%swap3A_256, %swap3A_257] {strides = array<i32>} : memref<64x768xf32, #tpu.memory_space<vmem>>, vector<16xf32>,
      tpu.vector_store %arg8[%swap3A_256, %swap3A_257], %add3A_255 {strides = array<i32>} : memref<64x768xf32, #tpu.memory_space<vmem>>, vector<16xf32>,
      %get3A_259 = arith.index_cast %scan3A_19 : i32 to index
      %get3A_260 = arith.constant 384 : index
      %get3A_261 = tpu.vector_load %arg8[%get3A_259, %get3A_260] {strides = array<i32>} : memref<64x768xf32, #tpu.memory_space<vmem>>, vector<16xf32>,
      %get3A_262 = arith.index_cast %scan3A_19 : i32 to index
      %get3A_263 = arith.constant 384 : index
      %get3A_264 = tpu.vector_load %arg9[%get3A_262, %get3A_263] {strides = array<i32>} : memref<64x768xf32, #tpu.memory_space<vmem>>, vector<16xf32>,
      %add3A_265 = arith.addf %get3A_261, %get3A_264 : vector<16xf32>
      %swap3A_266 = arith.index_cast %scan3A_19 : i32 to index
      %swap3A_267 = arith.constant 384 : index
      %swap3A_268 = tpu.vector_load %arg8[%swap3A_266, %swap3A_267] {strides = array<i32>} : memref<64x768xf32, #tpu.memory_space<vmem>>, vector<16xf32>,
      tpu.vector_store %arg8[%swap3A_266, %swap3A_267], %add3A_265 {strides = array<i32>} : memref<64x768xf32, #tpu.memory_space<vmem>>, vector<16xf32>,
      %get3A_269 = arith.index_cast %scan3A_19 : i32 to index
      %get3A_270 = arith.constant 400 : index
      %get3A_271 = tpu.vector_load %arg8[%get3A_269, %get3A_270] {strides = array<i32>} : memref<64x768xf32, #tpu.memory_space<vmem>>, vector<16xf32>,
      %get3A_272 = arith.index_cast %scan3A_19 : i32 to index
      %get3A_273 = arith.constant 400 : index
      %get3A_274 = tpu.vector_load %arg9[%get3A_272, %get3A_273] {strides = array<i32>} : memref<64x768xf32, #tpu.memory_space<vmem>>, vector<16xf32>,
      %add3A_275 = arith.addf %get3A_271, %get3A_274 : vector<16xf32>
      %swap3A_276 = arith.index_cast %scan3A_19 : i32 to index
      %swap3A_277 = arith.constant 400 : index
      %swap3A_278 = tpu.vector_load %arg8[%swap3A_276, %swap3A_277] {strides = array<i32>} : memref<64x768xf32, #tpu.memory_space<vmem>>, vector<16xf32>,
      tpu.vector_store %arg8[%swap3A_276, %swap3A_277], %add3A_275 {strides = array<i32>} : memref<64x768xf32, #tpu.memory_space<vmem>>, vector<16xf32>,
      %get3A_279 = arith.index_cast %scan3A_19 : i32 to index
      %get3A_280 = arith.constant 416 : index
      %get3A_281 = tpu.vector_load %arg8[%get3A_279, %get3A_280] {strides = array<i32>} : memref<64x768xf32, #tpu.memory_space<vmem>>, vector<16xf32>,
      %get3A_282 = arith.index_cast %scan3A_19 : i32 to index
      %get3A_283 = arith.constant 416 : index
      %get3A_284 = tpu.vector_load %arg9[%get3A_282, %get3A_283] {strides = array<i32>} : memref<64x768xf32, #tpu.memory_space<vmem>>, vector<16xf32>,
      %add3A_285 = arith.addf %get3A_281, %get3A_284 : vector<16xf32>
      %swap3A_286 = arith.index_cast %scan3A_19 : i32 to index
      %swap3A_287 = arith.constant 416 : index
      %swap3A_288 = tpu.vector_load %arg8[%swap3A_286, %swap3A_287] {strides = array<i32>} : memref<64x768xf32, #tpu.memory_space<vmem>>, vector<16xf32>,
      tpu.vector_store %arg8[%swap3A_286, %swap3A_287], %add3A_285 {strides = array<i32>} : memref<64x768xf32, #tpu.memory_space<vmem>>, vector<16xf32>,
      %get3A_289 = arith.index_cast %scan3A_19 : i32 to index
      %get3A_290 = arith.constant 432 : index
      %get3A_291 = tpu.vector_load %arg8[%get3A_289, %get3A_290] {strides = array<i32>} : memref<64x768xf32, #tpu.memory_space<vmem>>, vector<16xf32>,
      %get3A_292 = arith.index_cast %scan3A_19 : i32 to index
      %get3A_293 = arith.constant 432 : index
      %get3A_294 = tpu.vector_load %arg9[%get3A_292, %get3A_293] {strides = array<i32>} : memref<64x768xf32, #tpu.memory_space<vmem>>, vector<16xf32>,
      %add3A_295 = arith.addf %get3A_291, %get3A_294 : vector<16xf32>
      %swap3A_296 = arith.index_cast %scan3A_19 : i32 to index
      %swap3A_297 = arith.constant 432 : index
      %swap3A_298 = tpu.vector_load %arg8[%swap3A_296, %swap3A_297] {strides = array<i32>} : memref<64x768xf32, #tpu.memory_space<vmem>>, vector<16xf32>,
      tpu.vector_store %arg8[%swap3A_296, %swap3A_297], %add3A_295 {strides = array<i32>} : memref<64x768xf32, #tpu.memory_space<vmem>>, vector<16xf32>,
      %get3A_299 = arith.index_cast %scan3A_19 : i32 to index
      %get3A_300 = arith.constant 448 : index
      %get3A_301 = tpu.vector_load %arg8[%get3A_299, %get3A_300] {strides = array<i32>} : memref<64x768xf32, #tpu.memory_space<vmem>>, vector<16xf32>,
      %get3A_302 = arith.index_cast %scan3A_19 : i32 to index
      %get3A_303 = arith.constant 448 : index
      %get3A_304 = tpu.vector_load %arg9[%get3A_302, %get3A_303] {strides = array<i32>} : memref<64x768xf32, #tpu.memory_space<vmem>>, vector<16xf32>,
      %add3A_305 = arith.addf %get3A_301, %get3A_304 : vector<16xf32>
      %swap3A_306 = arith.index_cast %scan3A_19 : i32 to index
      %swap3A_307 = arith.constant 448 : index
      %swap3A_308 = tpu.vector_load %arg8[%swap3A_306, %swap3A_307] {strides = array<i32>} : memref<64x768xf32, #tpu.memory_space<vmem>>, vector<16xf32>,
      tpu.vector_store %arg8[%swap3A_306, %swap3A_307], %add3A_305 {strides = array<i32>} : memref<64x768xf32, #tpu.memory_space<vmem>>, vector<16xf32>,
      %get3A_309 = arith.index_cast %scan3A_19 : i32 to index
      %get3A_310 = arith.constant 464 : index
      %get3A_311 = tpu.vector_load %arg8[%get3A_309, %get3A_310] {strides = array<i32>} : memref<64x768xf32, #tpu.memory_space<vmem>>, vector<16xf32>,
      %get3A_312 = arith.index_cast %scan3A_19 : i32 to index
      %get3A_313 = arith.constant 464 : index
      %get3A_314 = tpu.vector_load %arg9[%get3A_312, %get3A_313] {strides = array<i32>} : memref<64x768xf32, #tpu.memory_space<vmem>>, vector<16xf32>,
      %add3A_315 = arith.addf %get3A_311, %get3A_314 : vector<16xf32>
      %swap3A_316 = arith.index_cast %scan3A_19 : i32 to index
      %swap3A_317 = arith.constant 464 : index
      %swap3A_318 = tpu.vector_load %arg8[%swap3A_316, %swap3A_317] {strides = array<i32>} : memref<64x768xf32, #tpu.memory_space<vmem>>, vector<16xf32>,
      tpu.vector_store %arg8[%swap3A_316, %swap3A_317], %add3A_315 {strides = array<i32>} : memref<64x768xf32, #tpu.memory_space<vmem>>, vector<16xf32>,
      %get3A_319 = arith.index_cast %scan3A_19 : i32 to index
      %get3A_320 = arith.constant 480 : index
      %get3A_321 = tpu.vector_load %arg8[%get3A_319, %get3A_320] {strides = array<i32>} : memref<64x768xf32, #tpu.memory_space<vmem>>, vector<16xf32>,
      %get3A_322 = arith.index_cast %scan3A_19 : i32 to index
      %get3A_323 = arith.constant 480 : index
      %get3A_324 = tpu.vector_load %arg9[%get3A_322, %get3A_323] {strides = array<i32>} : memref<64x768xf32, #tpu.memory_space<vmem>>, vector<16xf32>,
      %add3A_325 = arith.addf %get3A_321, %get3A_324 : vector<16xf32>
      %swap3A_326 = arith.index_cast %scan3A_19 : i32 to index
      %swap3A_327 = arith.constant 480 : index
      %swap3A_328 = tpu.vector_load %arg8[%swap3A_326, %swap3A_327] {strides = array<i32>} : memref<64x768xf32, #tpu.memory_space<vmem>>, vector<16xf32>,
      tpu.vector_store %arg8[%swap3A_326, %swap3A_327], %add3A_325 {strides = array<i32>} : memref<64x768xf32, #tpu.memory_space<vmem>>, vector<16xf32>,
      %get3A_329 = arith.index_cast %scan3A_19 : i32 to index
      %get3A_330 = arith.constant 496 : index
      %get3A_331 = tpu.vector_load %arg8[%get3A_329, %get3A_330] {strides = array<i32>} : memref<64x768xf32, #tpu.memory_space<vmem>>, vector<16xf32>,
      %get3A_332 = arith.index_cast %scan3A_19 : i32 to index
      %get3A_333 = arith.constant 496 : index
      %get3A_334 = tpu.vector_load %arg9[%get3A_332, %get3A_333] {strides = array<i32>} : memref<64x768xf32, #tpu.memory_space<vmem>>, vector<16xf32>,
      %add3A_335 = arith.addf %get3A_331, %get3A_334 : vector<16xf32>
      %swap3A_336 = arith.index_cast %scan3A_19 : i32 to index
      %swap3A_337 = arith.constant 496 : index
      %swap3A_338 = tpu.vector_load %arg8[%swap3A_336, %swap3A_337] {strides = array<i32>} : memref<64x768xf32, #tpu.memory_space<vmem>>, vector<16xf32>,
      tpu.vector_store %arg8[%swap3A_336, %swap3A_337], %add3A_335 {strides = array<i32>} : memref<64x768xf32, #tpu.memory_space<vmem>>, vector<16xf32>,
      %get3A_339 = arith.index_cast %scan3A_19 : i32 to index
      %get3A_340 = arith.constant 512 : index
      %get3A_341 = tpu.vector_load %arg8[%get3A_339, %get3A_340] {strides = array<i32>} : memref<64x768xf32, #tpu.memory_space<vmem>>, vector<16xf32>,
      %get3A_342 = arith.index_cast %scan3A_19 : i32 to index
      %get3A_343 = arith.constant 512 : index
      %get3A_344 = tpu.vector_load %arg9[%get3A_342, %get3A_343] {strides = array<i32>} : memref<64x768xf32, #tpu.memory_space<vmem>>, vector<16xf32>,
      %add3A_345 = arith.addf %get3A_341, %get3A_344 : vector<16xf32>
      %swap3A_346 = arith.index_cast %scan3A_19 : i32 to index
      %swap3A_347 = arith.constant 512 : index
      %swap3A_348 = tpu.vector_load %arg8[%swap3A_346, %swap3A_347] {strides = array<i32>} : memref<64x768xf32, #tpu.memory_space<vmem>>, vector<16xf32>,
      tpu.vector_store %arg8[%swap3A_346, %swap3A_347], %add3A_345 {strides = array<i32>} : memref<64x768xf32, #tpu.memory_space<vmem>>, vector<16xf32>,
      %get3A_349 = arith.index_cast %scan3A_19 : i32 to index
      %get3A_350 = arith.constant 528 : index
      %get3A_351 = tpu.vector_load %arg8[%get3A_349, %get3A_350] {strides = array<i32>} : memref<64x768xf32, #tpu.memory_space<vmem>>, vector<16xf32>,
      %get3A_352 = arith.index_cast %scan3A_19 : i32 to index
      %get3A_353 = arith.constant 528 : index
      %get3A_354 = tpu.vector_load %arg9[%get3A_352, %get3A_353] {strides = array<i32>} : memref<64x768xf32, #tpu.memory_space<vmem>>, vector<16xf32>,
      %add3A_355 = arith.addf %get3A_351, %get3A_354 : vector<16xf32>
      %swap3A_356 = arith.index_cast %scan3A_19 : i32 to index
      %swap3A_357 = arith.constant 528 : index
      %swap3A_358 = tpu.vector_load %arg8[%swap3A_356, %swap3A_357] {strides = array<i32>} : memref<64x768xf32, #tpu.memory_space<vmem>>, vector<16xf32>,
      tpu.vector_store %arg8[%swap3A_356, %swap3A_357], %add3A_355 {strides = array<i32>} : memref<64x768xf32, #tpu.memory_space<vmem>>, vector<16xf32>,
      %get3A_359 = arith.index_cast %scan3A_19 : i32 to index
      %get3A_360 = arith.constant 544 : index
      %get3A_361 = tpu.vector_load %arg8[%get3A_359, %get3A_360] {strides = array<i32>} : memref<64x768xf32, #tpu.memory_space<vmem>>, vector<16xf32>,
      %get3A_362 = arith.index_cast %scan3A_19 : i32 to index
      %get3A_363 = arith.constant 544 : index
      %get3A_364 = tpu.vector_load %arg9[%get3A_362, %get3A_363] {strides = array<i32>} : memref<64x768xf32, #tpu.memory_space<vmem>>, vector<16xf32>,
      %add3A_365 = arith.addf %get3A_361, %get3A_364 : vector<16xf32>
      %swap3A_366 = arith.index_cast %scan3A_19 : i32 to index
      %swap3A_367 = arith.constant 544 : index
      %swap3A_368 = tpu.vector_load %arg8[%swap3A_366, %swap3A_367] {strides = array<i32>} : memref<64x768xf32, #tpu.memory_space<vmem>>, vector<16xf32>,
      tpu.vector_store %arg8[%swap3A_366, %swap3A_367], %add3A_365 {strides = array<i32>} : memref<64x768xf32, #tpu.memory_space<vmem>>, vector<16xf32>,
      %get3A_369 = arith.index_cast %scan3A_19 : i32 to index
      %get3A_370 = arith.constant 560 : index
      %get3A_371 = tpu.vector_load %arg8[%get3A_369, %get3A_370] {strides = array<i32>} : memref<64x768xf32, #tpu.memory_space<vmem>>, vector<16xf32>,
      %get3A_372 = arith.index_cast %scan3A_19 : i32 to index
      %get3A_373 = arith.constant 560 : index
      %get3A_374 = tpu.vector_load %arg9[%get3A_372, %get3A_373] {strides = array<i32>} : memref<64x768xf32, #tpu.memory_space<vmem>>, vector<16xf32>,
      %add3A_375 = arith.addf %get3A_371, %get3A_374 : vector<16xf32>
      %swap3A_376 = arith.index_cast %scan3A_19 : i32 to index
      %swap3A_377 = arith.constant 560 : index
      %swap3A_378 = tpu.vector_load %arg8[%swap3A_376, %swap3A_377] {strides = array<i32>} : memref<64x768xf32, #tpu.memory_space<vmem>>, vector<16xf32>,
      tpu.vector_store %arg8[%swap3A_376, %swap3A_377], %add3A_375 {strides = array<i32>} : memref<64x768xf32, #tpu.memory_space<vmem>>, vector<16xf32>,
      %get3A_379 = arith.index_cast %scan3A_19 : i32 to index
      %get3A_380 = arith.constant 576 : index
      %get3A_381 = tpu.vector_load %arg8[%get3A_379, %get3A_380] {strides = array<i32>} : memref<64x768xf32, #tpu.memory_space<vmem>>, vector<16xf32>,
      %get3A_382 = arith.index_cast %scan3A_19 : i32 to index
      %get3A_383 = arith.constant 576 : index
      %get3A_384 = tpu.vector_load %arg9[%get3A_382, %get3A_383] {strides = array<i32>} : memref<64x768xf32, #tpu.memory_space<vmem>>, vector<16xf32>,
      %add3A_385 = arith.addf %get3A_381, %get3A_384 : vector<16xf32>
      %swap3A_386 = arith.index_cast %scan3A_19 : i32 to index
      %swap3A_387 = arith.constant 576 : index
      %swap3A_388 = tpu.vector_load %arg8[%swap3A_386, %swap3A_387] {strides = array<i32>} : memref<64x768xf32, #tpu.memory_space<vmem>>, vector<16xf32>,
      tpu.vector_store %arg8[%swap3A_386, %swap3A_387], %add3A_385 {strides = array<i32>} : memref<64x768xf32, #tpu.memory_space<vmem>>, vector<16xf32>,
      %get3A_389 = arith.index_cast %scan3A_19 : i32 to index
      %get3A_390 = arith.constant 592 : index
      %get3A_391 = tpu.vector_load %arg8[%get3A_389, %get3A_390] {strides = array<i32>} : memref<64x768xf32, #tpu.memory_space<vmem>>, vector<16xf32>,
      %get3A_392 = arith.index_cast %scan3A_19 : i32 to index
      %get3A_393 = arith.constant 592 : index
      %get3A_394 = tpu.vector_load %arg9[%get3A_392, %get3A_393] {strides = array<i32>} : memref<64x768xf32, #tpu.memory_space<vmem>>, vector<16xf32>,
      %add3A_395 = arith.addf %get3A_391, %get3A_394 : vector<16xf32>
      %swap3A_396 = arith.index_cast %scan3A_19 : i32 to index
      %swap3A_397 = arith.constant 592 : index
      %swap3A_398 = tpu.vector_load %arg8[%swap3A_396, %swap3A_397] {strides = array<i32>} : memref<64x768xf32, #tpu.memory_space<vmem>>, vector<16xf32>,
      tpu.vector_store %arg8[%swap3A_396, %swap3A_397], %add3A_395 {strides = array<i32>} : memref<64x768xf32, #tpu.memory_space<vmem>>, vector<16xf32>,
      %get3A_399 = arith.index_cast %scan3A_19 : i32 to index
      %get3A_400 = arith.constant 608 : index
      %get3A_401 = tpu.vector_load %arg8[%get3A_399, %get3A_400] {strides = array<i32>} : memref<64x768xf32, #tpu.memory_space<vmem>>, vector<16xf32>,
      %get3A_402 = arith.index_cast %scan3A_19 : i32 to index
      %get3A_403 = arith.constant 608 : index
      %get3A_404 = tpu.vector_load %arg9[%get3A_402, %get3A_403] {strides = array<i32>} : memref<64x768xf32, #tpu.memory_space<vmem>>, vector<16xf32>,
      %add3A_405 = arith.addf %get3A_401, %get3A_404 : vector<16xf32>
      %swap3A_406 = arith.index_cast %scan3A_19 : i32 to index
      %swap3A_407 = arith.constant 608 : index
      %swap3A_408 = tpu.vector_load %arg8[%swap3A_406, %swap3A_407] {strides = array<i32>} : memref<64x768xf32, #tpu.memory_space<vmem>>, vector<16xf32>,
      tpu.vector_store %arg8[%swap3A_406, %swap3A_407], %add3A_405 {strides = array<i32>} : memref<64x768xf32, #tpu.memory_space<vmem>>, vector<16xf32>,
      %get3A_409 = arith.index_cast %scan3A_19 : i32 to index
      %get3A_410 = arith.constant 624 : index
      %get3A_411 = tpu.vector_load %arg8[%get3A_409, %get3A_410] {strides = array<i32>} : memref<64x768xf32, #tpu.memory_space<vmem>>, vector<16xf32>,
      %get3A_412 = arith.index_cast %scan3A_19 : i32 to index
      %get3A_413 = arith.constant 624 : index
      %get3A_414 = tpu.vector_load %arg9[%get3A_412, %get3A_413] {strides = array<i32>} : memref<64x768xf32, #tpu.memory_space<vmem>>, vector<16xf32>,
      %add3A_415 = arith.addf %get3A_411, %get3A_414 : vector<16xf32>
      %swap3A_416 = arith.index_cast %scan3A_19 : i32 to index
      %swap3A_417 = arith.constant 624 : index
      %swap3A_418 = tpu.vector_load %arg8[%swap3A_416, %swap3A_417] {strides = array<i32>} : memref<64x768xf32, #tpu.memory_space<vmem>>, vector<16xf32>,
      tpu.vector_store %arg8[%swap3A_416, %swap3A_417], %add3A_415 {strides = array<i32>} : memref<64x768xf32, #tpu.memory_space<vmem>>, vector<16xf32>,
      %get3A_419 = arith.index_cast %scan3A_19 : i32 to index
      %get3A_420 = arith.constant 640 : index
      %get3A_421 = tpu.vector_load %arg8[%get3A_419, %get3A_420] {strides = array<i32>} : memref<64x768xf32, #tpu.memory_space<vmem>>, vector<16xf32>,
      %get3A_422 = arith.index_cast %scan3A_19 : i32 to index
      %get3A_423 = arith.constant 640 : index
      %get3A_424 = tpu.vector_load %arg9[%get3A_422, %get3A_423] {strides = array<i32>} : memref<64x768xf32, #tpu.memory_space<vmem>>, vector<16xf32>,
      %add3A_425 = arith.addf %get3A_421, %get3A_424 : vector<16xf32>
      %swap3A_426 = arith.index_cast %scan3A_19 : i32 to index
      %swap3A_427 = arith.constant 640 : index
      %swap3A_428 = tpu.vector_load %arg8[%swap3A_426, %swap3A_427] {strides = array<i32>} : memref<64x768xf32, #tpu.memory_space<vmem>>, vector<16xf32>,
      tpu.vector_store %arg8[%swap3A_426, %swap3A_427], %add3A_425 {strides = array<i32>} : memref<64x768xf32, #tpu.memory_space<vmem>>, vector<16xf32>,
      %get3A_429 = arith.index_cast %scan3A_19 : i32 to index
      %get3A_430 = arith.constant 656 : index
      %get3A_431 = tpu.vector_load %arg8[%get3A_429, %get3A_430] {strides = array<i32>} : memref<64x768xf32, #tpu.memory_space<vmem>>, vector<16xf32>,
      %get3A_432 = arith.index_cast %scan3A_19 : i32 to index
      %get3A_433 = arith.constant 656 : index
      %get3A_434 = tpu.vector_load %arg9[%get3A_432, %get3A_433] {strides = array<i32>} : memref<64x768xf32, #tpu.memory_space<vmem>>, vector<16xf32>,
      %add3A_435 = arith.addf %get3A_431, %get3A_434 : vector<16xf32>
      %swap3A_436 = arith.index_cast %scan3A_19 : i32 to index
      %swap3A_437 = arith.constant 656 : index
      %swap3A_438 = tpu.vector_load %arg8[%swap3A_436, %swap3A_437] {strides = array<i32>} : memref<64x768xf32, #tpu.memory_space<vmem>>, vector<16xf32>,
      tpu.vector_store %arg8[%swap3A_436, %swap3A_437], %add3A_435 {strides = array<i32>} : memref<64x768xf32, #tpu.memory_space<vmem>>, vector<16xf32>,
      %get3A_439 = arith.index_cast %scan3A_19 : i32 to index
      %get3A_440 = arith.constant 672 : index
      %get3A_441 = tpu.vector_load %arg8[%get3A_439, %get3A_440] {strides = array<i32>} : memref<64x768xf32, #tpu.memory_space<vmem>>, vector<16xf32>,
      %get3A_442 = arith.index_cast %scan3A_19 : i32 to index
      %get3A_443 = arith.constant 672 : index
      %get3A_444 = tpu.vector_load %arg9[%get3A_442, %get3A_443] {strides = array<i32>} : memref<64x768xf32, #tpu.memory_space<vmem>>, vector<16xf32>,
      %add3A_445 = arith.addf %get3A_441, %get3A_444 : vector<16xf32>
      %swap3A_446 = arith.index_cast %scan3A_19 : i32 to index
      %swap3A_447 = arith.constant 672 : index
      %swap3A_448 = tpu.vector_load %arg8[%swap3A_446, %swap3A_447] {strides = array<i32>} : memref<64x768xf32, #tpu.memory_space<vmem>>, vector<16xf32>,
      tpu.vector_store %arg8[%swap3A_446, %swap3A_447], %add3A_445 {strides = array<i32>} : memref<64x768xf32, #tpu.memory_space<vmem>>, vector<16xf32>,
      %get3A_449 = arith.index_cast %scan3A_19 : i32 to index
      %get3A_450 = arith.constant 688 : index
      %get3A_451 = tpu.vector_load %arg8[%get3A_449, %get3A_450] {strides = array<i32>} : memref<64x768xf32, #tpu.memory_space<vmem>>, vector<16xf32>,
      %get3A_452 = arith.index_cast %scan3A_19 : i32 to index
      %get3A_453 = arith.constant 688 : index
      %get3A_454 = tpu.vector_load %arg9[%get3A_452, %get3A_453] {strides = array<i32>} : memref<64x768xf32, #tpu.memory_space<vmem>>, vector<16xf32>,
      %add3A_455 = arith.addf %get3A_451, %get3A_454 : vector<16xf32>
      %swap3A_456 = arith.index_cast %scan3A_19 : i32 to index
      %swap3A_457 = arith.constant 688 : index
      %swap3A_458 = tpu.vector_load %arg8[%swap3A_456, %swap3A_457] {strides = array<i32>} : memref<64x768xf32, #tpu.memory_space<vmem>>, vector<16xf32>,
      tpu.vector_store %arg8[%swap3A_456, %swap3A_457], %add3A_455 {strides = array<i32>} : memref<64x768xf32, #tpu.memory_space<vmem>>, vector<16xf32>,
      %get3A_459 = arith.index_cast %scan3A_19 : i32 to index
      %get3A_460 = arith.constant 704 : index
      %get3A_461 = tpu.vector_load %arg8[%get3A_459, %get3A_460] {strides = array<i32>} : memref<64x768xf32, #tpu.memory_space<vmem>>, vector<16xf32>,
      %get3A_462 = arith.index_cast %scan3A_19 : i32 to index
      %get3A_463 = arith.constant 704 : index
      %get3A_464 = tpu.vector_load %arg9[%get3A_462, %get3A_463] {strides = array<i32>} : memref<64x768xf32, #tpu.memory_space<vmem>>, vector<16xf32>,
      %add3A_465 = arith.addf %get3A_461, %get3A_464 : vector<16xf32>
      %swap3A_466 = arith.index_cast %scan3A_19 : i32 to index
      %swap3A_467 = arith.constant 704 : index
      %swap3A_468 = tpu.vector_load %arg8[%swap3A_466, %swap3A_467] {strides = array<i32>} : memref<64x768xf32, #tpu.memory_space<vmem>>, vector<16xf32>,
      tpu.vector_store %arg8[%swap3A_466, %swap3A_467], %add3A_465 {strides = array<i32>} : memref<64x768xf32, #tpu.memory_space<vmem>>, vector<16xf32>,
      %get3A_469 = arith.index_cast %scan3A_19 : i32 to index
      %get3A_470 = arith.constant 720 : index
      %get3A_471 = tpu.vector_load %arg8[%get3A_469, %get3A_470] {strides = array<i32>} : memref<64x768xf32, #tpu.memory_space<vmem>>, vector<16xf32>,
      %get3A_472 = arith.index_cast %scan3A_19 : i32 to index
      %get3A_473 = arith.constant 720 : index
      %get3A_474 = tpu.vector_load %arg9[%get3A_472, %get3A_473] {strides = array<i32>} : memref<64x768xf32, #tpu.memory_space<vmem>>, vector<16xf32>,
      %add3A_475 = arith.addf %get3A_471, %get3A_474 : vector<16xf32>
      %swap3A_476 = arith.index_cast %scan3A_19 : i32 to index
      %swap3A_477 = arith.constant 720 : index
      %swap3A_478 = tpu.vector_load %arg8[%swap3A_476, %swap3A_477] {strides = array<i32>} : memref<64x768xf32, #tpu.memory_space<vmem>>, vector<16xf32>,
      tpu.vector_store %arg8[%swap3A_476, %swap3A_477], %add3A_475 {strides = array<i32>} : memref<64x768xf32, #tpu.memory_space<vmem>>, vector<16xf32>,
      %get3A_479 = arith.index_cast %scan3A_19 : i32 to index
      %get3A_480 = arith.constant 736 : index
      %get3A_481 = tpu.vector_load %arg8[%get3A_479, %get3A_480] {strides = array<i32>} : memref<64x768xf32, #tpu.memory_space<vmem>>, vector<16xf32>,
      %get3A_482 = arith.index_cast %scan3A_19 : i32 to index
      %get3A_483 = arith.constant 736 : index
      %get3A_484 = tpu.vector_load %arg9[%get3A_482, %get3A_483] {strides = array<i32>} : memref<64x768xf32, #tpu.memory_space<vmem>>, vector<16xf32>,
      %add3A_485 = arith.addf %get3A_481, %get3A_484 : vector<16xf32>
      %swap3A_486 = arith.index_cast %scan3A_19 : i32 to index
      %swap3A_487 = arith.constant 736 : index
      %swap3A_488 = tpu.vector_load %arg8[%swap3A_486, %swap3A_487] {strides = array<i32>} : memref<64x768xf32, #tpu.memory_space<vmem>>, vector<16xf32>,
      tpu.vector_store %arg8[%swap3A_486, %swap3A_487], %add3A_485 {strides = array<i32>} : memref<64x768xf32, #tpu.memory_space<vmem>>, vector<16xf32>,
      %get3A_489 = arith.index_cast %scan3A_19 : i32 to index
      %get3A_490 = arith.constant 752 : index
      %get3A_491 = tpu.vector_load %arg8[%get3A_489, %get3A_490] {strides = array<i32>} : memref<64x768xf32, #tpu.memory_space<vmem>>, vector<16xf32>,
      %get3A_492 = arith.index_cast %scan3A_19 : i32 to index
      %get3A_493 = arith.constant 752 : index
      %get3A_494 = tpu.vector_load %arg9[%get3A_492, %get3A_493] {strides = array<i32>} : memref<64x768xf32, #tpu.memory_space<vmem>>, vector<16xf32>,
      %add3A_495 = arith.addf %get3A_491, %get3A_494 : vector<16xf32>
      %swap3A_496 = arith.index_cast %scan3A_19 : i32 to index
      %swap3A_497 = arith.constant 752 : index
      %swap3A_498 = tpu.vector_load %arg8[%swap3A_496, %swap3A_497] {strides = array<i32>} : memref<64x768xf32, #tpu.memory_space<vmem>>, vector<16xf32>,
      tpu.vector_store %arg8[%swap3A_496, %swap3A_497], %add3A_495 {strides = array<i32>} : memref<64x768xf32, #tpu.memory_space<vmem>>, vector<16xf32>,
      %scan3A_499 = arith.constant 0 : i32
      scf.yield %scan3A_499 : i32
    }
    %scan3A_18 = arith.constant 64 : i32
    "tpu.region"() ({
      %run_scoped3A = tpu.sem_alloc : memref<!tpu.dma_semaphore, #tpu.memory_space<semaphore_mem>>
      %dma_start3A_19 = arith.constant 0 : i32
      %dma_start3A_20 = tpu.memref_slice %arg5[%mul3A_2, %dma_start3A_19] : memref<2048x768xf32, #tpu.memory_space<hbm>> -> memref<64x768xf32, #tpu.memory_space<hbm>>
      %dma_start3A_21 = arith.constant 0 : i32
      %dma_start3A_22 = tpu.memref_slice %arg5[%mul3A_2, %dma_start3A_21] : memref<2048x768xf32, #tpu.memory_space<hbm>> -> memref<64x768xf32, #tpu.memory_space<hbm>>
      tpu.enqueue_dma source(%arg8 : memref<64x768xf32, #tpu.memory_space<vmem>>) target(%dma_start3A_22 : memref<64x768xf32, #tpu.memory_space<hbm>>) target_semaphore(%run_scoped3A : memref<!tpu.dma_semaphore, #tpu.memory_space<semaphore_mem>>)
      %dma_wait3A_23 = arith.constant 0 : i32
      %dma_wait3A_24 = tpu.memref_slice %arg5[%mul3A_2, %dma_wait3A_23] : memref<2048x768xf32, #tpu.memory_space<hbm>> -> memref<64x768xf32, #tpu.memory_space<hbm>>
      %dma_wait3A_25 = arith.constant 0 : i32
      %dma_wait3A_26 = tpu.memref_slice %arg5[%mul3A_2, %dma_wait3A_25] : memref<2048x768xf32, #tpu.memory_space<hbm>> -> memref<64x768xf32, #tpu.memory_space<hbm>>
      tpu.wait_dma2 semaphore(%run_scoped3A : memref<!tpu.dma_semaphore, #tpu.memory_space<semaphore_mem>>) src(%arg8 : memref<64x768xf32, #tpu.memory_space<vmem>>) dst(%dma_wait3A_26 : memref<64x768xf32, #tpu.memory_space<hbm>>)
      tpu.yield
    }) : () -> ()
    return
  }
}

module attributes {stable_mosaic.version = 14 : i64} {
  func.func @_router_body(%arg0: memref<2048x768xf32, #tpu.memory_space<vmem>>, %arg1: memref<768x64xf32, #tpu.memory_space<vmem>>, %arg2: memref<2048x64xf32, #tpu.memory_space<vmem>>, %arg3: memref<2048x1xi32, #tpu.memory_space<vmem>>, %arg4: memref<2048x1xi32, #tpu.memory_space<vmem>>, %arg5: memref<8x512xi32, #tpu.memory_space<vmem>>, %arg6: memref<8x512xf32, #tpu.memory_space<vmem>>, %arg7: memref<2048x64xf32, #tpu.memory_space<vmem>>, %arg8: memref<2048x64xf32, #tpu.memory_space<vmem>>) attributes {dimension_semantics = [], scalar_prefetch = 0 : i64, scratch_operands = 2 : i64, tpu.core_type = #tpu.core_type<tc>} {
    %get3A = arith.constant 0 : index
    %get3A_0 = arith.constant 0 : index
    %get3A_1 = vector.load %arg0[%get3A, %get3A_0] : memref<2048x768xf32, #tpu.memory_space<vmem>>, vector<2048x768xf32>
    %get3A_2 = arith.constant 0 : index
    %get3A_3 = arith.constant 0 : index
    %get3A_4 = vector.load %arg1[%get3A_2, %get3A_3] : memref<768x64xf32, #tpu.memory_space<vmem>>, vector<768x64xf32>
    %dot_general3A = arith.constant dense<0.000000e+00> : vector<2048x64xf32>
    %dot_general3A_5 = tpu.matmul %get3A_1, %get3A_4, %dot_general3A {dimension_numbers = #tpu.dot_dimension_numbers<[1], [0], [0], [1], [0, 0, 1, 1], [], []>, transpose_lhs_hint = false} : vector<2048x768xf32>, vector<768x64xf32>, vector<2048x64xf32> -> vector<2048x64xf32>
    %swap3A = arith.constant 0 : index
    %swap3A_6 = arith.constant 0 : index
    %swap3A_7 = vector.load %arg2[%swap3A, %swap3A_6] : memref<2048x64xf32, #tpu.memory_space<vmem>>, vector<2048x64xf32>
    tpu.vector_store %arg2[%swap3A, %swap3A_6], %dot_general3A_5 {strides = array<i32>} : memref<2048x64xf32, #tpu.memory_space<vmem>>, vector<2048x64xf32>,
    %iota3A = tpu.iota {dimensions = array<i32: 1>} : vector<2048x64xi32>
    %reduce_max3A = arith.constant dense<0xFF800000> : vector<2048xf32>
    %reduce_max3A_8 = vector.multi_reduction <maximumf>, %dot_general3A_5, %reduce_max3A [1] : vector<2048x64xf32> to vector<2048xf32>
    %broadcast_in_dim3A = vector.shape_cast %reduce_max3A_8 : vector<2048xf32> to vector<2048x1xf32>
    %eq3A = vector.broadcast %broadcast_in_dim3A : vector<2048x1xf32> to vector<2048x64xf32>
    %eq3A_9 = arith.cmpf oeq, %dot_general3A_5, %eq3A : vector<2048x64xf32>
    %jit3A = arith.constant 64 : i32
    %broadcast_in_dim3A_10 = vector.broadcast %jit3A : i32 to vector<2048x64xi32>
    %select_n3A = arith.select %eq3A_9, %iota3A, %broadcast_in_dim3A_10 : vector<2048x64xi1>, vector<2048x64xi32>
    %reduce_min3A = arith.constant dense<2147483647> : vector<2048xi32>
    %reduce_min3A_11 = vector.multi_reduction <minsi>, %select_n3A, %reduce_min3A [1] : vector<2048x64xi32> to vector<2048xi32>
    %broadcast_in_dim3A_12 = vector.shape_cast %reduce_min3A_11 : vector<2048xi32> to vector<2048x1xi32>
    %eq3A_13 = vector.broadcast %broadcast_in_dim3A_12 : vector<2048x1xi32> to vector<2048x64xi32>
    %eq3A_14 = arith.cmpi eq, %iota3A, %eq3A_13 : vector<2048x64xi32>
    %jit3A_15 = arith.constant 0xFF800000 : f32
    %broadcast_in_dim3A_16 = vector.broadcast %jit3A_15 : f32 to vector<2048x64xf32>
    %select_n3A_17 = arith.select %eq3A_14, %broadcast_in_dim3A_16, %dot_general3A_5 : vector<2048x64xi1>, vector<2048x64xf32>
    %reduce_max3A_18 = arith.constant dense<0xFF800000> : vector<2048xf32>
    %reduce_max3A_19 = vector.multi_reduction <maximumf>, %select_n3A_17, %reduce_max3A_18 [1] : vector<2048x64xf32> to vector<2048xf32>
    %broadcast_in_dim3A_20 = vector.shape_cast %reduce_max3A_19 : vector<2048xf32> to vector<2048x1xf32>
    %eq3A_21 = vector.broadcast %broadcast_in_dim3A_20 : vector<2048x1xf32> to vector<2048x64xf32>
    %eq3A_22 = arith.cmpf oeq, %select_n3A_17, %eq3A_21 : vector<2048x64xf32>
    %jit3A_23 = arith.constant 64 : i32
    %broadcast_in_dim3A_24 = vector.broadcast %jit3A_23 : i32 to vector<2048x64xi32>
    %select_n3A_25 = arith.select %eq3A_22, %iota3A, %broadcast_in_dim3A_24 : vector<2048x64xi1>, vector<2048x64xi32>
    %reduce_min3A_26 = arith.constant dense<2147483647> : vector<2048xi32>
    %reduce_min3A_27 = vector.multi_reduction <minsi>, %select_n3A_25, %reduce_min3A_26 [1] : vector<2048x64xi32> to vector<2048xi32>
    %broadcast_in_dim3A_28 = vector.shape_cast %reduce_min3A_27 : vector<2048xi32> to vector<2048x1xi32>
    %sub3A = arith.subf %broadcast_in_dim3A_20, %broadcast_in_dim3A : vector<2048x1xf32>
    %exp3A = math.exp %sub3A : vector<2048x1xf32>
    %add3A = arith.constant 1.000000e+00 : f32
    %add3A_29 = vector.broadcast %add3A : f32 to vector<2048x1xf32>
    %add3A_30 = arith.addf %add3A_29, %exp3A : vector<2048x1xf32>
    %div3A = arith.constant 1.000000e+00 : f32
    %div3A_31 = vector.broadcast %div3A : f32 to vector<2048x1xf32>
    %div3A_32 = arith.divf %div3A_31, %add3A_30 : vector<2048x1xf32>
    %add3A_33 = arith.constant 1.000000e+00 : f32
    %add3A_34 = vector.broadcast %add3A_33 : f32 to vector<2048x1xf32>
    %add3A_35 = arith.addf %add3A_34, %exp3A : vector<2048x1xf32>
    %div3A_36 = arith.divf %exp3A, %add3A_35 : vector<2048x1xf32>
    %eq3A_37 = vector.broadcast %broadcast_in_dim3A_12 : vector<2048x1xi32> to vector<2048x64xi32>
    %eq3A_38 = arith.cmpi eq, %iota3A, %eq3A_37 : vector<2048x64xi32>
    %convert_element_type3A = arith.extui %eq3A_38 : vector<2048x64xi1> to vector<2048x64xi32>
    %convert_element_type3A_39 = arith.sitofp %convert_element_type3A : vector<2048x64xi32> to vector<2048x64xf32>
    %eq3A_40 = vector.broadcast %broadcast_in_dim3A_28 : vector<2048x1xi32> to vector<2048x64xi32>
    %eq3A_41 = arith.cmpi eq, %iota3A, %eq3A_40 : vector<2048x64xi32>
    %convert_element_type3A_42 = arith.extui %eq3A_41 : vector<2048x64xi1> to vector<2048x64xi32>
    %convert_element_type3A_43 = arith.sitofp %convert_element_type3A_42 : vector<2048x64xi32> to vector<2048x64xf32>
    %add3A_44 = arith.addf %convert_element_type3A_39, %convert_element_type3A_43 : vector<2048x64xf32>
    %swap3A_45 = arith.constant 0 : index
    %swap3A_46 = arith.constant 0 : index
    %swap3A_47 = vector.load %arg7[%swap3A_45, %swap3A_46] : memref<2048x64xf32, #tpu.memory_space<vmem>>, vector<2048x64xf32>
    tpu.vector_store %arg7[%swap3A_45, %swap3A_46], %add3A_44 {strides = array<i32>} : memref<2048x64xf32, #tpu.memory_space<vmem>>, vector<2048x64xf32>,
    %iota3A_48 = tpu.iota {dimensions = array<i32: 0>} : vector<256x256xi32>
    %iota3A_49 = tpu.iota {dimensions = array<i32: 1>} : vector<256x256xi32>
    %gt3A = arith.cmpi sgt, %iota3A_48, %iota3A_49 : vector<256x256xi32>
    %convert_element_type3A_50 = arith.extui %gt3A : vector<256x256xi1> to vector<256x256xi32>
    %convert_element_type3A_51 = arith.sitofp %convert_element_type3A_50 : vector<256x256xi32> to vector<256x256xf32>
    %broadcast_in_dim3A_52 = arith.constant 0.000000e+00 : f32
    %broadcast_in_dim3A_53 = vector.broadcast %broadcast_in_dim3A_52 : f32 to vector<1x64xf32>
    %scan3A = arith.constant 0 : i32
    %scan3A_54 = arith.constant 8 : i32
    %scan3A_55 = arith.addi %scan3A, %scan3A_54 : i32
    %scan3A_56 = arith.constant 1 : i32
    %scan3A_57 = scf.for %scan3A_459 = %scan3A to %scan3A_55 step %scan3A_56 iter_args(%scan3A_460 = %broadcast_in_dim3A_53) -> (vector<1x64xf32>)  : i32 {
      %mul3A_461 = arith.constant 256 : i32
      %mul3A_462 = arith.muli %scan3A_459, %mul3A_461 : i32
      %get3A_463 = arith.index_cast %mul3A_462 : i32 to index
      %get3A_464 = arith.constant 0 : index
      %get3A_465 = vector.load %arg7[%get3A_463, %get3A_464] : memref<2048x64xf32, #tpu.memory_space<vmem>>, vector<256x64xf32>
      %dot_general3A_466 = arith.constant dense<0.000000e+00> : vector<256x64xf32>
      %dot_general3A_467 = tpu.matmul %convert_element_type3A_51, %get3A_465, %dot_general3A_466 {dimension_numbers = #tpu.dot_dimension_numbers<[1], [0], [0], [1], [0, 0, 1, 1], [], []>, transpose_lhs_hint = false} : vector<256x256xf32>, vector<256x64xf32>, vector<256x64xf32> -> vector<256x64xf32>
      %add3A_468 = vector.broadcast %scan3A_460 : vector<1x64xf32> to vector<256x64xf32>
      %add3A_469 = arith.addf %dot_general3A_467, %add3A_468 : vector<256x64xf32>
      %mul3A_470 = arith.constant 256 : i32
      %mul3A_471 = arith.muli %scan3A_459, %mul3A_470 : i32
      %swap3A_472 = arith.index_cast %mul3A_471 : i32 to index
      %swap3A_473 = arith.constant 0 : index
      %swap3A_474 = vector.load %arg8[%swap3A_472, %swap3A_473] : memref<2048x64xf32, #tpu.memory_space<vmem>>, vector<256x64xf32>
      tpu.vector_store %arg8[%swap3A_472, %swap3A_473], %add3A_469 {strides = array<i32>} : memref<2048x64xf32, #tpu.memory_space<vmem>>, vector<256x64xf32>,
      %reduce_sum3A_475 = arith.constant dense<0.000000e+00> : vector<64xf32>
      %reduce_sum3A_476 = vector.multi_reduction <add>, %get3A_465, %reduce_sum3A_475 [0] : vector<256x64xf32> to vector<64xf32>
      %broadcast_in_dim3A_477 = vector.shape_cast %reduce_sum3A_476 : vector<64xf32> to vector<1x64xf32>
      %add3A_478 = arith.addf %scan3A_460, %broadcast_in_dim3A_477 : vector<1x64xf32>
      scf.yield %add3A_478 : vector<1x64xf32>
    }
    %scan3A_58 = arith.constant 8 : i32
    %get3A_59 = arith.constant 0 : index
    %get3A_60 = arith.constant 0 : index
    %get3A_61 = vector.load %arg8[%get3A_59, %get3A_60] : memref<2048x64xf32, #tpu.memory_space<vmem>>, vector<2048x64xf32>
    %mul3A = arith.mulf %get3A_61, %convert_element_type3A_39 : vector<2048x64xf32>
    %reduce_sum3A = arith.constant dense<0.000000e+00> : vector<2048xf32>
    %reduce_sum3A_62 = vector.multi_reduction <add>, %mul3A, %reduce_sum3A [1] : vector<2048x64xf32> to vector<2048xf32>
    %broadcast_in_dim3A_63 = vector.shape_cast %reduce_sum3A_62 : vector<2048xf32> to vector<2048x1xf32>
    %mul3A_64 = arith.mulf %get3A_61, %convert_element_type3A_43 : vector<2048x64xf32>
    %reduce_sum3A_65 = arith.constant dense<0.000000e+00> : vector<2048xf32>
    %reduce_sum3A_66 = vector.multi_reduction <add>, %mul3A_64, %reduce_sum3A_65 [1] : vector<2048x64xf32> to vector<2048xf32>
    %broadcast_in_dim3A_67 = vector.shape_cast %reduce_sum3A_66 : vector<2048xf32> to vector<2048x1xf32>
    %lt3A = arith.constant 6.400000e+01 : f32
    %lt3A_68 = vector.broadcast %lt3A : f32 to vector<2048x1xf32>
    %lt3A_69 = arith.cmpf olt, %broadcast_in_dim3A_63, %lt3A_68 : vector<2048x1xf32>
    %lt3A_70 = arith.constant 6.400000e+01 : f32
    %lt3A_71 = vector.broadcast %lt3A_70 : f32 to vector<2048x1xf32>
    %lt3A_72 = arith.cmpf olt, %broadcast_in_dim3A_67, %lt3A_71 : vector<2048x1xf32>
    %mul3A_73 = arith.constant 64 : i32
    %mul3A_74 = vector.broadcast %mul3A_73 : i32 to vector<2048x1xi32>
    %mul3A_75 = arith.muli %broadcast_in_dim3A_12, %mul3A_74 : vector<2048x1xi32>
    %convert_element_type3A_76 = arith.fptosi %broadcast_in_dim3A_63 : vector<2048x1xf32> to vector<2048x1xi32>
    %add3A_77 = arith.addi %mul3A_75, %convert_element_type3A_76 : vector<2048x1xi32>
    %jit3A_78 = arith.constant 4096 : i32
    %broadcast_in_dim3A_79 = vector.broadcast %jit3A_78 : i32 to vector<2048x1xi32>
    %select_n3A_80 = arith.select %lt3A_69, %add3A_77, %broadcast_in_dim3A_79 : vector<2048x1xi1>, vector<2048x1xi32>
    %mul3A_81 = arith.constant 64 : i32
    %mul3A_82 = vector.broadcast %mul3A_81 : i32 to vector<2048x1xi32>
    %mul3A_83 = arith.muli %broadcast_in_dim3A_28, %mul3A_82 : vector<2048x1xi32>
    %convert_element_type3A_84 = arith.fptosi %broadcast_in_dim3A_67 : vector<2048x1xf32> to vector<2048x1xi32>
    %add3A_85 = arith.addi %mul3A_83, %convert_element_type3A_84 : vector<2048x1xi32>
    %jit3A_86 = arith.constant 4096 : i32
    %broadcast_in_dim3A_87 = vector.broadcast %jit3A_86 : i32 to vector<2048x1xi32>
    %select_n3A_88 = arith.select %lt3A_72, %add3A_85, %broadcast_in_dim3A_87 : vector<2048x1xi1>, vector<2048x1xi32>
    %jit3A_89 = arith.constant 0.000000e+00 : f32
    %broadcast_in_dim3A_90 = vector.broadcast %jit3A_89 : f32 to vector<2048x1xf32>
    %select_n3A_91 = arith.select %lt3A_69, %div3A_32, %broadcast_in_dim3A_90 : vector<2048x1xi1>, vector<2048x1xf32>
    %jit3A_92 = arith.constant 0.000000e+00 : f32
    %broadcast_in_dim3A_93 = vector.broadcast %jit3A_92 : f32 to vector<2048x1xf32>
    %select_n3A_94 = arith.select %lt3A_72, %div3A_36, %broadcast_in_dim3A_93 : vector<2048x1xi1>, vector<2048x1xf32>
    %swap3A_95 = arith.constant 0 : index
    %swap3A_96 = arith.constant 0 : index
    %swap3A_97 = vector.load %arg3[%swap3A_95, %swap3A_96] : memref<2048x1xi32, #tpu.memory_space<vmem>>, vector<2048x1xi32>
    tpu.vector_store %arg3[%swap3A_95, %swap3A_96], %select_n3A_80 {strides = array<i32>} : memref<2048x1xi32, #tpu.memory_space<vmem>>, vector<2048x1xi32>,
    %swap3A_98 = arith.constant 0 : index
    %swap3A_99 = arith.constant 0 : index
    %swap3A_100 = vector.load %arg4[%swap3A_98, %swap3A_99] : memref<2048x1xi32, #tpu.memory_space<vmem>>, vector<2048x1xi32>
    tpu.vector_store %arg4[%swap3A_98, %swap3A_99], %select_n3A_88 {strides = array<i32>} : memref<2048x1xi32, #tpu.memory_space<vmem>>, vector<2048x1xi32>,
    %iota3A_101 = tpu.iota {dimensions = array<i32: 1>} : vector<1x2048xi32>
    %jit3A_102 = arith.constant 64 : i32
    %div3A_103 = vector.broadcast %jit3A_102 : i32 to vector<1x2048xi32>
    %div3A_104 = arith.divsi %iota3A_101, %div3A_103 : vector<1x2048xi32>
    %sign3A = arith.constant 0 : i32
    %sign3A_105 = vector.broadcast %sign3A : i32 to vector<1x2048xi32>
    %sign3A_106 = arith.cmpi sgt, %iota3A_101, %sign3A_105 : vector<1x2048xi32>
    %sign3A_107 = arith.extui %sign3A_106 : vector<1x2048xi1> to vector<1x2048xi32>
    %sign3A_108 = arith.constant 0 : i32
    %sign3A_109 = vector.broadcast %sign3A_108 : i32 to vector<1x2048xi32>
    %sign3A_110 = arith.cmpi slt, %iota3A_101, %sign3A_109 : vector<1x2048xi32>
    %sign3A_111 = arith.extui %sign3A_110 : vector<1x2048xi1> to vector<1x2048xi32>
    %sign3A_112 = arith.subi %sign3A_107, %sign3A_111 : vector<1x2048xi32>
    %sign3A_113 = arith.constant 0 : i32
    %sign3A_114 = arith.cmpi sgt, %jit3A_102, %sign3A_113 : i32
    %sign3A_115 = arith.extui %sign3A_114 : i1 to i32
    %sign3A_116 = arith.constant 0 : i32
    %sign3A_117 = arith.cmpi slt, %jit3A_102, %sign3A_116 : i32
    %sign3A_118 = arith.extui %sign3A_117 : i1 to i32
    %sign3A_119 = arith.subi %sign3A_115, %sign3A_118 : i32
    %ne3A = vector.broadcast %sign3A_119 : i32 to vector<1x2048xi32>
    %ne3A_120 = arith.cmpi ne, %sign3A_112, %ne3A : vector<1x2048xi32>
    %rem3A = vector.broadcast %jit3A_102 : i32 to vector<1x2048xi32>
    %rem3A_121 = arith.remsi %iota3A_101, %rem3A : vector<1x2048xi32>
    %ne3A_122 = arith.constant 0 : i32
    %ne3A_123 = vector.broadcast %ne3A_122 : i32 to vector<1x2048xi32>
    %ne3A_124 = arith.cmpi ne, %rem3A_121, %ne3A_123 : vector<1x2048xi32>
    %and3A = arith.andi %ne3A_120, %ne3A_124 : vector<1x2048xi1>
    %sub3A_125 = arith.constant 1 : i32
    %sub3A_126 = vector.broadcast %sub3A_125 : i32 to vector<1x2048xi32>
    %sub3A_127 = arith.subi %div3A_104, %sub3A_126 : vector<1x2048xi32>
    %select_n3A_128 = arith.select %and3A, %sub3A_127, %div3A_104 : vector<1x2048xi1>, vector<1x2048xi32>
    %convert_element_type3A_129 = arith.sitofp %select_n3A_128 : vector<1x2048xi32> to vector<1x2048xf32>
    %jit3A_130 = arith.constant 64 : i32
    %eq3A_131 = arith.constant 0 : i32
    %eq3A_132 = arith.cmpi eq, %jit3A_130, %eq3A_131 : i32
    %jit3A_133 = arith.constant 1 : i32
    %select_n3A_134 = arith.select %eq3A_132, %jit3A_133, %jit3A_130 : i32
    %rem3A_135 = vector.broadcast %select_n3A_134 : i32 to vector<1x2048xi32>
    %rem3A_136 = arith.remsi %iota3A_101, %rem3A_135 : vector<1x2048xi32>
    %ne3A_137 = arith.constant 0 : i32
    %ne3A_138 = vector.broadcast %ne3A_137 : i32 to vector<1x2048xi32>
    %ne3A_139 = arith.cmpi ne, %rem3A_136, %ne3A_138 : vector<1x2048xi32>
    %lt3A_140 = arith.constant 0 : i32
    %lt3A_141 = vector.broadcast %lt3A_140 : i32 to vector<1x2048xi32>
    %lt3A_142 = arith.cmpi slt, %rem3A_136, %lt3A_141 : vector<1x2048xi32>
    %lt3A_143 = arith.constant 0 : i32
    %lt3A_144 = arith.cmpi slt, %select_n3A_134, %lt3A_143 : i32
    %ne3A_145 = vector.broadcast %lt3A_144 : i1 to vector<1x2048xi1>
    %ne3A_146 = vector.broadcast %ne3A_145 : vector<1x2048xi1> to vector<1x2048xi1>
    %ne3A_147 = arith.xori %lt3A_142, %ne3A_146 : vector<1x2048xi1>
    %and3A_148 = arith.andi %ne3A_147, %ne3A_139 : vector<1x2048xi1>
    %add3A_149 = vector.broadcast %select_n3A_134 : i32 to vector<1x2048xi32>
    %add3A_150 = arith.addi %rem3A_136, %add3A_149 : vector<1x2048xi32>
    %select_n3A_151 = arith.select %and3A_148, %add3A_150, %rem3A_136 : vector<1x2048xi1>, vector<1x2048xi32>
    %convert_element_type3A_152 = arith.sitofp %select_n3A_151 : vector<1x2048xi32> to vector<1x2048xf32>
    %reshape3A = vector.shape_cast %select_n3A_91 : vector<2048x1xf32> to vector<1x2048xf32>
    %convert_element_type3A_153 = arith.truncf %reshape3A : vector<1x2048xf32> to vector<1x2048xbf16>
    %convert_element_type3A_154 = arith.extf %convert_element_type3A_153 : vector<1x2048xbf16> to vector<1x2048xf32>
    %sub3A_155 = arith.subf %reshape3A, %convert_element_type3A_154 : vector<1x2048xf32>
    %concatenate3A = tpu.concatenate %convert_element_type3A_129, %convert_element_type3A_152, %convert_element_type3A_154, %sub3A_155 in 0 : vector<1x2048xf32>, vector<1x2048xf32>, vector<1x2048xf32>, vector<1x2048xf32> -> vector<4x2048xf32>
    %convert_element_type3A_156 = arith.truncf %concatenate3A : vector<4x2048xf32> to vector<4x2048xbf16>
    %reshape3A_157 = vector.shape_cast %select_n3A_94 : vector<2048x1xf32> to vector<1x2048xf32>
    %convert_element_type3A_158 = arith.truncf %reshape3A_157 : vector<1x2048xf32> to vector<1x2048xbf16>
    %convert_element_type3A_159 = arith.extf %convert_element_type3A_158 : vector<1x2048xbf16> to vector<1x2048xf32>
    %sub3A_160 = arith.subf %reshape3A_157, %convert_element_type3A_159 : vector<1x2048xf32>
    %concatenate3A_161 = tpu.concatenate %convert_element_type3A_129, %convert_element_type3A_152, %convert_element_type3A_159, %sub3A_160 in 0 : vector<1x2048xf32>, vector<1x2048xf32>, vector<1x2048xf32>, vector<1x2048xf32> -> vector<4x2048xf32>
    %convert_element_type3A_162 = arith.truncf %concatenate3A_161 : vector<4x2048xf32> to vector<4x2048xbf16>
    %iota3A_163 = tpu.iota {dimensions = array<i32: 1>} : vector<2048x512xi32>
    %sub3A_164 = arith.constant 0 : i32
    %sub3A_165 = vector.broadcast %sub3A_164 : i32 to vector<2048x1xi32>
    %sub3A_166 = arith.subi %select_n3A_80, %sub3A_165 : vector<2048x1xi32>
    %eq3A_167 = vector.broadcast %sub3A_166 : vector<2048x1xi32> to vector<2048x512xi32>
    %eq3A_168 = arith.cmpi eq, %eq3A_167, %iota3A_163 : vector<2048x512xi32>
    %convert_element_type3A_169 = arith.extui %eq3A_168 : vector<2048x512xi1> to vector<2048x512xi32>
    %convert_element_type3A_170 = arith.sitofp %convert_element_type3A_169 : vector<2048x512xi32> to vector<2048x512xf32>
    %convert_element_type3A_171 = arith.truncf %convert_element_type3A_170 : vector<2048x512xf32> to vector<2048x512xbf16>
    %sub3A_172 = arith.constant 0 : i32
    %sub3A_173 = vector.broadcast %sub3A_172 : i32 to vector<2048x1xi32>
    %sub3A_174 = arith.subi %select_n3A_88, %sub3A_173 : vector<2048x1xi32>
    %eq3A_175 = vector.broadcast %sub3A_174 : vector<2048x1xi32> to vector<2048x512xi32>
    %eq3A_176 = arith.cmpi eq, %eq3A_175, %iota3A_163 : vector<2048x512xi32>
    %convert_element_type3A_177 = arith.extui %eq3A_176 : vector<2048x512xi1> to vector<2048x512xi32>
    %convert_element_type3A_178 = arith.sitofp %convert_element_type3A_177 : vector<2048x512xi32> to vector<2048x512xf32>
    %convert_element_type3A_179 = arith.truncf %convert_element_type3A_178 : vector<2048x512xf32> to vector<2048x512xbf16>
    %dot_general3A_180 = arith.constant dense<0.000000e+00> : vector<4x512xf32>
    %dot_general3A_181 = tpu.matmul %convert_element_type3A_156, %convert_element_type3A_171, %dot_general3A_180 {dimension_numbers = #tpu.dot_dimension_numbers<[1], [0], [0], [1], [0, 0, 1, 1], [], []>, transpose_lhs_hint = false} : vector<4x2048xbf16>, vector<2048x512xbf16>, vector<4x512xf32> -> vector<4x512xf32>
    %dot_general3A_182 = arith.constant dense<0.000000e+00> : vector<4x512xf32>
    %dot_general3A_183 = tpu.matmul %convert_element_type3A_162, %convert_element_type3A_179, %dot_general3A_182 {dimension_numbers = #tpu.dot_dimension_numbers<[1], [0], [0], [1], [0, 0, 1, 1], [], []>, transpose_lhs_hint = false} : vector<4x2048xbf16>, vector<2048x512xbf16>, vector<4x512xf32> -> vector<4x512xf32>
    %add3A_184 = arith.addf %dot_general3A_181, %dot_general3A_183 : vector<4x512xf32>
    %slice3A = vector.extract_strided_slice %add3A_184 {offsets = [0, 0], sizes = [1, 512], strides = [1, 1]} : vector<4x512xf32> to vector<1x512xf32>
    %mul3A_185 = arith.constant 6.400000e+01 : f32
    %mul3A_186 = vector.broadcast %mul3A_185 : f32 to vector<1x512xf32>
    %mul3A_187 = arith.mulf %slice3A, %mul3A_186 : vector<1x512xf32>
    %slice3A_188 = vector.extract_strided_slice %add3A_184 {offsets = [1, 0], sizes = [1, 512], strides = [1, 1]} : vector<4x512xf32> to vector<1x512xf32>
    %add3A_189 = arith.addf %mul3A_187, %slice3A_188 : vector<1x512xf32>
    %convert_element_type3A_190 = arith.fptosi %add3A_189 : vector<1x512xf32> to vector<1x512xi32>
    %swap3A_191 = arith.constant 0 : index
    %swap3A_192 = arith.constant 0 : index
    %swap3A_193 = vector.load %arg5[%swap3A_191, %swap3A_192] : memref<8x512xi32, #tpu.memory_space<vmem>>, vector<1x512xi32>
    tpu.vector_store %arg5[%swap3A_191, %swap3A_192], %convert_element_type3A_190 {strides = array<i32>} : memref<8x512xi32, #tpu.memory_space<vmem>>, vector<1x512xi32>,
    %slice3A_194 = vector.extract_strided_slice %add3A_184 {offsets = [2, 0], sizes = [1, 512], strides = [1, 1]} : vector<4x512xf32> to vector<1x512xf32>
    %slice3A_195 = vector.extract_strided_slice %add3A_184 {offsets = [3, 0], sizes = [1, 512], strides = [1, 1]} : vector<4x512xf32> to vector<1x512xf32>
    %add3A_196 = arith.addf %slice3A_194, %slice3A_195 : vector<1x512xf32>
    %swap3A_197 = arith.constant 0 : index
    %swap3A_198 = arith.constant 0 : index
    %swap3A_199 = vector.load %arg6[%swap3A_197, %swap3A_198] : memref<8x512xf32, #tpu.memory_space<vmem>>, vector<1x512xf32>
    tpu.vector_store %arg6[%swap3A_197, %swap3A_198], %add3A_196 {strides = array<i32>} : memref<8x512xf32, #tpu.memory_space<vmem>>, vector<1x512xf32>,
    %sub3A_200 = arith.constant 512 : i32
    %sub3A_201 = vector.broadcast %sub3A_200 : i32 to vector<2048x1xi32>
    %sub3A_202 = arith.subi %select_n3A_80, %sub3A_201 : vector<2048x1xi32>
    %eq3A_203 = vector.broadcast %sub3A_202 : vector<2048x1xi32> to vector<2048x512xi32>
    %eq3A_204 = arith.cmpi eq, %eq3A_203, %iota3A_163 : vector<2048x512xi32>
    %convert_element_type3A_205 = arith.extui %eq3A_204 : vector<2048x512xi1> to vector<2048x512xi32>
    %convert_element_type3A_206 = arith.sitofp %convert_element_type3A_205 : vector<2048x512xi32> to vector<2048x512xf32>
    %convert_element_type3A_207 = arith.truncf %convert_element_type3A_206 : vector<2048x512xf32> to vector<2048x512xbf16>
    %sub3A_208 = arith.constant 512 : i32
    %sub3A_209 = vector.broadcast %sub3A_208 : i32 to vector<2048x1xi32>
    %sub3A_210 = arith.subi %select_n3A_88, %sub3A_209 : vector<2048x1xi32>
    %eq3A_211 = vector.broadcast %sub3A_210 : vector<2048x1xi32> to vector<2048x512xi32>
    %eq3A_212 = arith.cmpi eq, %eq3A_211, %iota3A_163 : vector<2048x512xi32>
    %convert_element_type3A_213 = arith.extui %eq3A_212 : vector<2048x512xi1> to vector<2048x512xi32>
    %convert_element_type3A_214 = arith.sitofp %convert_element_type3A_213 : vector<2048x512xi32> to vector<2048x512xf32>
    %convert_element_type3A_215 = arith.truncf %convert_element_type3A_214 : vector<2048x512xf32> to vector<2048x512xbf16>
    %dot_general3A_216 = arith.constant dense<0.000000e+00> : vector<4x512xf32>
    %dot_general3A_217 = tpu.matmul %convert_element_type3A_156, %convert_element_type3A_207, %dot_general3A_216 {dimension_numbers = #tpu.dot_dimension_numbers<[1], [0], [0], [1], [0, 0, 1, 1], [], []>, transpose_lhs_hint = false} : vector<4x2048xbf16>, vector<2048x512xbf16>, vector<4x512xf32> -> vector<4x512xf32>
    %dot_general3A_218 = arith.constant dense<0.000000e+00> : vector<4x512xf32>
    %dot_general3A_219 = tpu.matmul %convert_element_type3A_162, %convert_element_type3A_215, %dot_general3A_218 {dimension_numbers = #tpu.dot_dimension_numbers<[1], [0], [0], [1], [0, 0, 1, 1], [], []>, transpose_lhs_hint = false} : vector<4x2048xbf16>, vector<2048x512xbf16>, vector<4x512xf32> -> vector<4x512xf32>
    %add3A_220 = arith.addf %dot_general3A_217, %dot_general3A_219 : vector<4x512xf32>
    %slice3A_221 = vector.extract_strided_slice %add3A_220 {offsets = [0, 0], sizes = [1, 512], strides = [1, 1]} : vector<4x512xf32> to vector<1x512xf32>
    %mul3A_222 = arith.constant 6.400000e+01 : f32
    %mul3A_223 = vector.broadcast %mul3A_222 : f32 to vector<1x512xf32>
    %mul3A_224 = arith.mulf %slice3A_221, %mul3A_223 : vector<1x512xf32>
    %slice3A_225 = vector.extract_strided_slice %add3A_220 {offsets = [1, 0], sizes = [1, 512], strides = [1, 1]} : vector<4x512xf32> to vector<1x512xf32>
    %add3A_226 = arith.addf %mul3A_224, %slice3A_225 : vector<1x512xf32>
    %convert_element_type3A_227 = arith.fptosi %add3A_226 : vector<1x512xf32> to vector<1x512xi32>
    %swap3A_228 = arith.constant 1 : index
    %swap3A_229 = arith.constant 0 : index
    %swap3A_230 = vector.load %arg5[%swap3A_228, %swap3A_229] : memref<8x512xi32, #tpu.memory_space<vmem>>, vector<1x512xi32>
    tpu.vector_store %arg5[%swap3A_228, %swap3A_229], %convert_element_type3A_227 {strides = array<i32>} : memref<8x512xi32, #tpu.memory_space<vmem>>, vector<1x512xi32>,
    %slice3A_231 = vector.extract_strided_slice %add3A_220 {offsets = [2, 0], sizes = [1, 512], strides = [1, 1]} : vector<4x512xf32> to vector<1x512xf32>
    %slice3A_232 = vector.extract_strided_slice %add3A_220 {offsets = [3, 0], sizes = [1, 512], strides = [1, 1]} : vector<4x512xf32> to vector<1x512xf32>
    %add3A_233 = arith.addf %slice3A_231, %slice3A_232 : vector<1x512xf32>
    %swap3A_234 = arith.constant 1 : index
    %swap3A_235 = arith.constant 0 : index
    %swap3A_236 = vector.load %arg6[%swap3A_234, %swap3A_235] : memref<8x512xf32, #tpu.memory_space<vmem>>, vector<1x512xf32>
    tpu.vector_store %arg6[%swap3A_234, %swap3A_235], %add3A_233 {strides = array<i32>} : memref<8x512xf32, #tpu.memory_space<vmem>>, vector<1x512xf32>,
    %sub3A_237 = arith.constant 1024 : i32
    %sub3A_238 = vector.broadcast %sub3A_237 : i32 to vector<2048x1xi32>
    %sub3A_239 = arith.subi %select_n3A_80, %sub3A_238 : vector<2048x1xi32>
    %eq3A_240 = vector.broadcast %sub3A_239 : vector<2048x1xi32> to vector<2048x512xi32>
    %eq3A_241 = arith.cmpi eq, %eq3A_240, %iota3A_163 : vector<2048x512xi32>
    %convert_element_type3A_242 = arith.extui %eq3A_241 : vector<2048x512xi1> to vector<2048x512xi32>
    %convert_element_type3A_243 = arith.sitofp %convert_element_type3A_242 : vector<2048x512xi32> to vector<2048x512xf32>
    %convert_element_type3A_244 = arith.truncf %convert_element_type3A_243 : vector<2048x512xf32> to vector<2048x512xbf16>
    %sub3A_245 = arith.constant 1024 : i32
    %sub3A_246 = vector.broadcast %sub3A_245 : i32 to vector<2048x1xi32>
    %sub3A_247 = arith.subi %select_n3A_88, %sub3A_246 : vector<2048x1xi32>
    %eq3A_248 = vector.broadcast %sub3A_247 : vector<2048x1xi32> to vector<2048x512xi32>
    %eq3A_249 = arith.cmpi eq, %eq3A_248, %iota3A_163 : vector<2048x512xi32>
    %convert_element_type3A_250 = arith.extui %eq3A_249 : vector<2048x512xi1> to vector<2048x512xi32>
    %convert_element_type3A_251 = arith.sitofp %convert_element_type3A_250 : vector<2048x512xi32> to vector<2048x512xf32>
    %convert_element_type3A_252 = arith.truncf %convert_element_type3A_251 : vector<2048x512xf32> to vector<2048x512xbf16>
    %dot_general3A_253 = arith.constant dense<0.000000e+00> : vector<4x512xf32>
    %dot_general3A_254 = tpu.matmul %convert_element_type3A_156, %convert_element_type3A_244, %dot_general3A_253 {dimension_numbers = #tpu.dot_dimension_numbers<[1], [0], [0], [1], [0, 0, 1, 1], [], []>, transpose_lhs_hint = false} : vector<4x2048xbf16>, vector<2048x512xbf16>, vector<4x512xf32> -> vector<4x512xf32>
    %dot_general3A_255 = arith.constant dense<0.000000e+00> : vector<4x512xf32>
    %dot_general3A_256 = tpu.matmul %convert_element_type3A_162, %convert_element_type3A_252, %dot_general3A_255 {dimension_numbers = #tpu.dot_dimension_numbers<[1], [0], [0], [1], [0, 0, 1, 1], [], []>, transpose_lhs_hint = false} : vector<4x2048xbf16>, vector<2048x512xbf16>, vector<4x512xf32> -> vector<4x512xf32>
    %add3A_257 = arith.addf %dot_general3A_254, %dot_general3A_256 : vector<4x512xf32>
    %slice3A_258 = vector.extract_strided_slice %add3A_257 {offsets = [0, 0], sizes = [1, 512], strides = [1, 1]} : vector<4x512xf32> to vector<1x512xf32>
    %mul3A_259 = arith.constant 6.400000e+01 : f32
    %mul3A_260 = vector.broadcast %mul3A_259 : f32 to vector<1x512xf32>
    %mul3A_261 = arith.mulf %slice3A_258, %mul3A_260 : vector<1x512xf32>
    %slice3A_262 = vector.extract_strided_slice %add3A_257 {offsets = [1, 0], sizes = [1, 512], strides = [1, 1]} : vector<4x512xf32> to vector<1x512xf32>
    %add3A_263 = arith.addf %mul3A_261, %slice3A_262 : vector<1x512xf32>
    %convert_element_type3A_264 = arith.fptosi %add3A_263 : vector<1x512xf32> to vector<1x512xi32>
    %swap3A_265 = arith.constant 2 : index
    %swap3A_266 = arith.constant 0 : index
    %swap3A_267 = vector.load %arg5[%swap3A_265, %swap3A_266] : memref<8x512xi32, #tpu.memory_space<vmem>>, vector<1x512xi32>
    tpu.vector_store %arg5[%swap3A_265, %swap3A_266], %convert_element_type3A_264 {strides = array<i32>} : memref<8x512xi32, #tpu.memory_space<vmem>>, vector<1x512xi32>,
    %slice3A_268 = vector.extract_strided_slice %add3A_257 {offsets = [2, 0], sizes = [1, 512], strides = [1, 1]} : vector<4x512xf32> to vector<1x512xf32>
    %slice3A_269 = vector.extract_strided_slice %add3A_257 {offsets = [3, 0], sizes = [1, 512], strides = [1, 1]} : vector<4x512xf32> to vector<1x512xf32>
    %add3A_270 = arith.addf %slice3A_268, %slice3A_269 : vector<1x512xf32>
    %swap3A_271 = arith.constant 2 : index
    %swap3A_272 = arith.constant 0 : index
    %swap3A_273 = vector.load %arg6[%swap3A_271, %swap3A_272] : memref<8x512xf32, #tpu.memory_space<vmem>>, vector<1x512xf32>
    tpu.vector_store %arg6[%swap3A_271, %swap3A_272], %add3A_270 {strides = array<i32>} : memref<8x512xf32, #tpu.memory_space<vmem>>, vector<1x512xf32>,
    %sub3A_274 = arith.constant 1536 : i32
    %sub3A_275 = vector.broadcast %sub3A_274 : i32 to vector<2048x1xi32>
    %sub3A_276 = arith.subi %select_n3A_80, %sub3A_275 : vector<2048x1xi32>
    %eq3A_277 = vector.broadcast %sub3A_276 : vector<2048x1xi32> to vector<2048x512xi32>
    %eq3A_278 = arith.cmpi eq, %eq3A_277, %iota3A_163 : vector<2048x512xi32>
    %convert_element_type3A_279 = arith.extui %eq3A_278 : vector<2048x512xi1> to vector<2048x512xi32>
    %convert_element_type3A_280 = arith.sitofp %convert_element_type3A_279 : vector<2048x512xi32> to vector<2048x512xf32>
    %convert_element_type3A_281 = arith.truncf %convert_element_type3A_280 : vector<2048x512xf32> to vector<2048x512xbf16>
    %sub3A_282 = arith.constant 1536 : i32
    %sub3A_283 = vector.broadcast %sub3A_282 : i32 to vector<2048x1xi32>
    %sub3A_284 = arith.subi %select_n3A_88, %sub3A_283 : vector<2048x1xi32>
    %eq3A_285 = vector.broadcast %sub3A_284 : vector<2048x1xi32> to vector<2048x512xi32>
    %eq3A_286 = arith.cmpi eq, %eq3A_285, %iota3A_163 : vector<2048x512xi32>
    %convert_element_type3A_287 = arith.extui %eq3A_286 : vector<2048x512xi1> to vector<2048x512xi32>
    %convert_element_type3A_288 = arith.sitofp %convert_element_type3A_287 : vector<2048x512xi32> to vector<2048x512xf32>
    %convert_element_type3A_289 = arith.truncf %convert_element_type3A_288 : vector<2048x512xf32> to vector<2048x512xbf16>
    %dot_general3A_290 = arith.constant dense<0.000000e+00> : vector<4x512xf32>
    %dot_general3A_291 = tpu.matmul %convert_element_type3A_156, %convert_element_type3A_281, %dot_general3A_290 {dimension_numbers = #tpu.dot_dimension_numbers<[1], [0], [0], [1], [0, 0, 1, 1], [], []>, transpose_lhs_hint = false} : vector<4x2048xbf16>, vector<2048x512xbf16>, vector<4x512xf32> -> vector<4x512xf32>
    %dot_general3A_292 = arith.constant dense<0.000000e+00> : vector<4x512xf32>
    %dot_general3A_293 = tpu.matmul %convert_element_type3A_162, %convert_element_type3A_289, %dot_general3A_292 {dimension_numbers = #tpu.dot_dimension_numbers<[1], [0], [0], [1], [0, 0, 1, 1], [], []>, transpose_lhs_hint = false} : vector<4x2048xbf16>, vector<2048x512xbf16>, vector<4x512xf32> -> vector<4x512xf32>
    %add3A_294 = arith.addf %dot_general3A_291, %dot_general3A_293 : vector<4x512xf32>
    %slice3A_295 = vector.extract_strided_slice %add3A_294 {offsets = [0, 0], sizes = [1, 512], strides = [1, 1]} : vector<4x512xf32> to vector<1x512xf32>
    %mul3A_296 = arith.constant 6.400000e+01 : f32
    %mul3A_297 = vector.broadcast %mul3A_296 : f32 to vector<1x512xf32>
    %mul3A_298 = arith.mulf %slice3A_295, %mul3A_297 : vector<1x512xf32>
    %slice3A_299 = vector.extract_strided_slice %add3A_294 {offsets = [1, 0], sizes = [1, 512], strides = [1, 1]} : vector<4x512xf32> to vector<1x512xf32>
    %add3A_300 = arith.addf %mul3A_298, %slice3A_299 : vector<1x512xf32>
    %convert_element_type3A_301 = arith.fptosi %add3A_300 : vector<1x512xf32> to vector<1x512xi32>
    %swap3A_302 = arith.constant 3 : index
    %swap3A_303 = arith.constant 0 : index
    %swap3A_304 = vector.load %arg5[%swap3A_302, %swap3A_303] : memref<8x512xi32, #tpu.memory_space<vmem>>, vector<1x512xi32>
    tpu.vector_store %arg5[%swap3A_302, %swap3A_303], %convert_element_type3A_301 {strides = array<i32>} : memref<8x512xi32, #tpu.memory_space<vmem>>, vector<1x512xi32>,
    %slice3A_305 = vector.extract_strided_slice %add3A_294 {offsets = [2, 0], sizes = [1, 512], strides = [1, 1]} : vector<4x512xf32> to vector<1x512xf32>
    %slice3A_306 = vector.extract_strided_slice %add3A_294 {offsets = [3, 0], sizes = [1, 512], strides = [1, 1]} : vector<4x512xf32> to vector<1x512xf32>
    %add3A_307 = arith.addf %slice3A_305, %slice3A_306 : vector<1x512xf32>
    %swap3A_308 = arith.constant 3 : index
    %swap3A_309 = arith.constant 0 : index
    %swap3A_310 = vector.load %arg6[%swap3A_308, %swap3A_309] : memref<8x512xf32, #tpu.memory_space<vmem>>, vector<1x512xf32>
    tpu.vector_store %arg6[%swap3A_308, %swap3A_309], %add3A_307 {strides = array<i32>} : memref<8x512xf32, #tpu.memory_space<vmem>>, vector<1x512xf32>,
    %sub3A_311 = arith.constant 2048 : i32
    %sub3A_312 = vector.broadcast %sub3A_311 : i32 to vector<2048x1xi32>
    %sub3A_313 = arith.subi %select_n3A_80, %sub3A_312 : vector<2048x1xi32>
    %eq3A_314 = vector.broadcast %sub3A_313 : vector<2048x1xi32> to vector<2048x512xi32>
    %eq3A_315 = arith.cmpi eq, %eq3A_314, %iota3A_163 : vector<2048x512xi32>
    %convert_element_type3A_316 = arith.extui %eq3A_315 : vector<2048x512xi1> to vector<2048x512xi32>
    %convert_element_type3A_317 = arith.sitofp %convert_element_type3A_316 : vector<2048x512xi32> to vector<2048x512xf32>
    %convert_element_type3A_318 = arith.truncf %convert_element_type3A_317 : vector<2048x512xf32> to vector<2048x512xbf16>
    %sub3A_319 = arith.constant 2048 : i32
    %sub3A_320 = vector.broadcast %sub3A_319 : i32 to vector<2048x1xi32>
    %sub3A_321 = arith.subi %select_n3A_88, %sub3A_320 : vector<2048x1xi32>
    %eq3A_322 = vector.broadcast %sub3A_321 : vector<2048x1xi32> to vector<2048x512xi32>
    %eq3A_323 = arith.cmpi eq, %eq3A_322, %iota3A_163 : vector<2048x512xi32>
    %convert_element_type3A_324 = arith.extui %eq3A_323 : vector<2048x512xi1> to vector<2048x512xi32>
    %convert_element_type3A_325 = arith.sitofp %convert_element_type3A_324 : vector<2048x512xi32> to vector<2048x512xf32>
    %convert_element_type3A_326 = arith.truncf %convert_element_type3A_325 : vector<2048x512xf32> to vector<2048x512xbf16>
    %dot_general3A_327 = arith.constant dense<0.000000e+00> : vector<4x512xf32>
    %dot_general3A_328 = tpu.matmul %convert_element_type3A_156, %convert_element_type3A_318, %dot_general3A_327 {dimension_numbers = #tpu.dot_dimension_numbers<[1], [0], [0], [1], [0, 0, 1, 1], [], []>, transpose_lhs_hint = false} : vector<4x2048xbf16>, vector<2048x512xbf16>, vector<4x512xf32> -> vector<4x512xf32>
    %dot_general3A_329 = arith.constant dense<0.000000e+00> : vector<4x512xf32>
    %dot_general3A_330 = tpu.matmul %convert_element_type3A_162, %convert_element_type3A_326, %dot_general3A_329 {dimension_numbers = #tpu.dot_dimension_numbers<[1], [0], [0], [1], [0, 0, 1, 1], [], []>, transpose_lhs_hint = false} : vector<4x2048xbf16>, vector<2048x512xbf16>, vector<4x512xf32> -> vector<4x512xf32>
    %add3A_331 = arith.addf %dot_general3A_328, %dot_general3A_330 : vector<4x512xf32>
    %slice3A_332 = vector.extract_strided_slice %add3A_331 {offsets = [0, 0], sizes = [1, 512], strides = [1, 1]} : vector<4x512xf32> to vector<1x512xf32>
    %mul3A_333 = arith.constant 6.400000e+01 : f32
    %mul3A_334 = vector.broadcast %mul3A_333 : f32 to vector<1x512xf32>
    %mul3A_335 = arith.mulf %slice3A_332, %mul3A_334 : vector<1x512xf32>
    %slice3A_336 = vector.extract_strided_slice %add3A_331 {offsets = [1, 0], sizes = [1, 512], strides = [1, 1]} : vector<4x512xf32> to vector<1x512xf32>
    %add3A_337 = arith.addf %mul3A_335, %slice3A_336 : vector<1x512xf32>
    %convert_element_type3A_338 = arith.fptosi %add3A_337 : vector<1x512xf32> to vector<1x512xi32>
    %swap3A_339 = arith.constant 4 : index
    %swap3A_340 = arith.constant 0 : index
    %swap3A_341 = vector.load %arg5[%swap3A_339, %swap3A_340] : memref<8x512xi32, #tpu.memory_space<vmem>>, vector<1x512xi32>
    tpu.vector_store %arg5[%swap3A_339, %swap3A_340], %convert_element_type3A_338 {strides = array<i32>} : memref<8x512xi32, #tpu.memory_space<vmem>>, vector<1x512xi32>,
    %slice3A_342 = vector.extract_strided_slice %add3A_331 {offsets = [2, 0], sizes = [1, 512], strides = [1, 1]} : vector<4x512xf32> to vector<1x512xf32>
    %slice3A_343 = vector.extract_strided_slice %add3A_331 {offsets = [3, 0], sizes = [1, 512], strides = [1, 1]} : vector<4x512xf32> to vector<1x512xf32>
    %add3A_344 = arith.addf %slice3A_342, %slice3A_343 : vector<1x512xf32>
    %swap3A_345 = arith.constant 4 : index
    %swap3A_346 = arith.constant 0 : index
    %swap3A_347 = vector.load %arg6[%swap3A_345, %swap3A_346] : memref<8x512xf32, #tpu.memory_space<vmem>>, vector<1x512xf32>
    tpu.vector_store %arg6[%swap3A_345, %swap3A_346], %add3A_344 {strides = array<i32>} : memref<8x512xf32, #tpu.memory_space<vmem>>, vector<1x512xf32>,
    %sub3A_348 = arith.constant 2560 : i32
    %sub3A_349 = vector.broadcast %sub3A_348 : i32 to vector<2048x1xi32>
    %sub3A_350 = arith.subi %select_n3A_80, %sub3A_349 : vector<2048x1xi32>
    %eq3A_351 = vector.broadcast %sub3A_350 : vector<2048x1xi32> to vector<2048x512xi32>
    %eq3A_352 = arith.cmpi eq, %eq3A_351, %iota3A_163 : vector<2048x512xi32>
    %convert_element_type3A_353 = arith.extui %eq3A_352 : vector<2048x512xi1> to vector<2048x512xi32>
    %convert_element_type3A_354 = arith.sitofp %convert_element_type3A_353 : vector<2048x512xi32> to vector<2048x512xf32>
    %convert_element_type3A_355 = arith.truncf %convert_element_type3A_354 : vector<2048x512xf32> to vector<2048x512xbf16>
    %sub3A_356 = arith.constant 2560 : i32
    %sub3A_357 = vector.broadcast %sub3A_356 : i32 to vector<2048x1xi32>
    %sub3A_358 = arith.subi %select_n3A_88, %sub3A_357 : vector<2048x1xi32>
    %eq3A_359 = vector.broadcast %sub3A_358 : vector<2048x1xi32> to vector<2048x512xi32>
    %eq3A_360 = arith.cmpi eq, %eq3A_359, %iota3A_163 : vector<2048x512xi32>
    %convert_element_type3A_361 = arith.extui %eq3A_360 : vector<2048x512xi1> to vector<2048x512xi32>
    %convert_element_type3A_362 = arith.sitofp %convert_element_type3A_361 : vector<2048x512xi32> to vector<2048x512xf32>
    %convert_element_type3A_363 = arith.truncf %convert_element_type3A_362 : vector<2048x512xf32> to vector<2048x512xbf16>
    %dot_general3A_364 = arith.constant dense<0.000000e+00> : vector<4x512xf32>
    %dot_general3A_365 = tpu.matmul %convert_element_type3A_156, %convert_element_type3A_355, %dot_general3A_364 {dimension_numbers = #tpu.dot_dimension_numbers<[1], [0], [0], [1], [0, 0, 1, 1], [], []>, transpose_lhs_hint = false} : vector<4x2048xbf16>, vector<2048x512xbf16>, vector<4x512xf32> -> vector<4x512xf32>
    %dot_general3A_366 = arith.constant dense<0.000000e+00> : vector<4x512xf32>
    %dot_general3A_367 = tpu.matmul %convert_element_type3A_162, %convert_element_type3A_363, %dot_general3A_366 {dimension_numbers = #tpu.dot_dimension_numbers<[1], [0], [0], [1], [0, 0, 1, 1], [], []>, transpose_lhs_hint = false} : vector<4x2048xbf16>, vector<2048x512xbf16>, vector<4x512xf32> -> vector<4x512xf32>
    %add3A_368 = arith.addf %dot_general3A_365, %dot_general3A_367 : vector<4x512xf32>
    %slice3A_369 = vector.extract_strided_slice %add3A_368 {offsets = [0, 0], sizes = [1, 512], strides = [1, 1]} : vector<4x512xf32> to vector<1x512xf32>
    %mul3A_370 = arith.constant 6.400000e+01 : f32
    %mul3A_371 = vector.broadcast %mul3A_370 : f32 to vector<1x512xf32>
    %mul3A_372 = arith.mulf %slice3A_369, %mul3A_371 : vector<1x512xf32>
    %slice3A_373 = vector.extract_strided_slice %add3A_368 {offsets = [1, 0], sizes = [1, 512], strides = [1, 1]} : vector<4x512xf32> to vector<1x512xf32>
    %add3A_374 = arith.addf %mul3A_372, %slice3A_373 : vector<1x512xf32>
    %convert_element_type3A_375 = arith.fptosi %add3A_374 : vector<1x512xf32> to vector<1x512xi32>
    %swap3A_376 = arith.constant 5 : index
    %swap3A_377 = arith.constant 0 : index
    %swap3A_378 = vector.load %arg5[%swap3A_376, %swap3A_377] : memref<8x512xi32, #tpu.memory_space<vmem>>, vector<1x512xi32>
    tpu.vector_store %arg5[%swap3A_376, %swap3A_377], %convert_element_type3A_375 {strides = array<i32>} : memref<8x512xi32, #tpu.memory_space<vmem>>, vector<1x512xi32>,
    %slice3A_379 = vector.extract_strided_slice %add3A_368 {offsets = [2, 0], sizes = [1, 512], strides = [1, 1]} : vector<4x512xf32> to vector<1x512xf32>
    %slice3A_380 = vector.extract_strided_slice %add3A_368 {offsets = [3, 0], sizes = [1, 512], strides = [1, 1]} : vector<4x512xf32> to vector<1x512xf32>
    %add3A_381 = arith.addf %slice3A_379, %slice3A_380 : vector<1x512xf32>
    %swap3A_382 = arith.constant 5 : index
    %swap3A_383 = arith.constant 0 : index
    %swap3A_384 = vector.load %arg6[%swap3A_382, %swap3A_383] : memref<8x512xf32, #tpu.memory_space<vmem>>, vector<1x512xf32>
    tpu.vector_store %arg6[%swap3A_382, %swap3A_383], %add3A_381 {strides = array<i32>} : memref<8x512xf32, #tpu.memory_space<vmem>>, vector<1x512xf32>,
    %sub3A_385 = arith.constant 3072 : i32
    %sub3A_386 = vector.broadcast %sub3A_385 : i32 to vector<2048x1xi32>
    %sub3A_387 = arith.subi %select_n3A_80, %sub3A_386 : vector<2048x1xi32>
    %eq3A_388 = vector.broadcast %sub3A_387 : vector<2048x1xi32> to vector<2048x512xi32>
    %eq3A_389 = arith.cmpi eq, %eq3A_388, %iota3A_163 : vector<2048x512xi32>
    %convert_element_type3A_390 = arith.extui %eq3A_389 : vector<2048x512xi1> to vector<2048x512xi32>
    %convert_element_type3A_391 = arith.sitofp %convert_element_type3A_390 : vector<2048x512xi32> to vector<2048x512xf32>
    %convert_element_type3A_392 = arith.truncf %convert_element_type3A_391 : vector<2048x512xf32> to vector<2048x512xbf16>
    %sub3A_393 = arith.constant 3072 : i32
    %sub3A_394 = vector.broadcast %sub3A_393 : i32 to vector<2048x1xi32>
    %sub3A_395 = arith.subi %select_n3A_88, %sub3A_394 : vector<2048x1xi32>
    %eq3A_396 = vector.broadcast %sub3A_395 : vector<2048x1xi32> to vector<2048x512xi32>
    %eq3A_397 = arith.cmpi eq, %eq3A_396, %iota3A_163 : vector<2048x512xi32>
    %convert_element_type3A_398 = arith.extui %eq3A_397 : vector<2048x512xi1> to vector<2048x512xi32>
    %convert_element_type3A_399 = arith.sitofp %convert_element_type3A_398 : vector<2048x512xi32> to vector<2048x512xf32>
    %convert_element_type3A_400 = arith.truncf %convert_element_type3A_399 : vector<2048x512xf32> to vector<2048x512xbf16>
    %dot_general3A_401 = arith.constant dense<0.000000e+00> : vector<4x512xf32>
    %dot_general3A_402 = tpu.matmul %convert_element_type3A_156, %convert_element_type3A_392, %dot_general3A_401 {dimension_numbers = #tpu.dot_dimension_numbers<[1], [0], [0], [1], [0, 0, 1, 1], [], []>, transpose_lhs_hint = false} : vector<4x2048xbf16>, vector<2048x512xbf16>, vector<4x512xf32> -> vector<4x512xf32>
    %dot_general3A_403 = arith.constant dense<0.000000e+00> : vector<4x512xf32>
    %dot_general3A_404 = tpu.matmul %convert_element_type3A_162, %convert_element_type3A_400, %dot_general3A_403 {dimension_numbers = #tpu.dot_dimension_numbers<[1], [0], [0], [1], [0, 0, 1, 1], [], []>, transpose_lhs_hint = false} : vector<4x2048xbf16>, vector<2048x512xbf16>, vector<4x512xf32> -> vector<4x512xf32>
    %add3A_405 = arith.addf %dot_general3A_402, %dot_general3A_404 : vector<4x512xf32>
    %slice3A_406 = vector.extract_strided_slice %add3A_405 {offsets = [0, 0], sizes = [1, 512], strides = [1, 1]} : vector<4x512xf32> to vector<1x512xf32>
    %mul3A_407 = arith.constant 6.400000e+01 : f32
    %mul3A_408 = vector.broadcast %mul3A_407 : f32 to vector<1x512xf32>
    %mul3A_409 = arith.mulf %slice3A_406, %mul3A_408 : vector<1x512xf32>
    %slice3A_410 = vector.extract_strided_slice %add3A_405 {offsets = [1, 0], sizes = [1, 512], strides = [1, 1]} : vector<4x512xf32> to vector<1x512xf32>
    %add3A_411 = arith.addf %mul3A_409, %slice3A_410 : vector<1x512xf32>
    %convert_element_type3A_412 = arith.fptosi %add3A_411 : vector<1x512xf32> to vector<1x512xi32>
    %swap3A_413 = arith.constant 6 : index
    %swap3A_414 = arith.constant 0 : index
    %swap3A_415 = vector.load %arg5[%swap3A_413, %swap3A_414] : memref<8x512xi32, #tpu.memory_space<vmem>>, vector<1x512xi32>
    tpu.vector_store %arg5[%swap3A_413, %swap3A_414], %convert_element_type3A_412 {strides = array<i32>} : memref<8x512xi32, #tpu.memory_space<vmem>>, vector<1x512xi32>,
    %slice3A_416 = vector.extract_strided_slice %add3A_405 {offsets = [2, 0], sizes = [1, 512], strides = [1, 1]} : vector<4x512xf32> to vector<1x512xf32>
    %slice3A_417 = vector.extract_strided_slice %add3A_405 {offsets = [3, 0], sizes = [1, 512], strides = [1, 1]} : vector<4x512xf32> to vector<1x512xf32>
    %add3A_418 = arith.addf %slice3A_416, %slice3A_417 : vector<1x512xf32>
    %swap3A_419 = arith.constant 6 : index
    %swap3A_420 = arith.constant 0 : index
    %swap3A_421 = vector.load %arg6[%swap3A_419, %swap3A_420] : memref<8x512xf32, #tpu.memory_space<vmem>>, vector<1x512xf32>
    tpu.vector_store %arg6[%swap3A_419, %swap3A_420], %add3A_418 {strides = array<i32>} : memref<8x512xf32, #tpu.memory_space<vmem>>, vector<1x512xf32>,
    %sub3A_422 = arith.constant 3584 : i32
    %sub3A_423 = vector.broadcast %sub3A_422 : i32 to vector<2048x1xi32>
    %sub3A_424 = arith.subi %select_n3A_80, %sub3A_423 : vector<2048x1xi32>
    %eq3A_425 = vector.broadcast %sub3A_424 : vector<2048x1xi32> to vector<2048x512xi32>
    %eq3A_426 = arith.cmpi eq, %eq3A_425, %iota3A_163 : vector<2048x512xi32>
    %convert_element_type3A_427 = arith.extui %eq3A_426 : vector<2048x512xi1> to vector<2048x512xi32>
    %convert_element_type3A_428 = arith.sitofp %convert_element_type3A_427 : vector<2048x512xi32> to vector<2048x512xf32>
    %convert_element_type3A_429 = arith.truncf %convert_element_type3A_428 : vector<2048x512xf32> to vector<2048x512xbf16>
    %sub3A_430 = arith.constant 3584 : i32
    %sub3A_431 = vector.broadcast %sub3A_430 : i32 to vector<2048x1xi32>
    %sub3A_432 = arith.subi %select_n3A_88, %sub3A_431 : vector<2048x1xi32>
    %eq3A_433 = vector.broadcast %sub3A_432 : vector<2048x1xi32> to vector<2048x512xi32>
    %eq3A_434 = arith.cmpi eq, %eq3A_433, %iota3A_163 : vector<2048x512xi32>
    %convert_element_type3A_435 = arith.extui %eq3A_434 : vector<2048x512xi1> to vector<2048x512xi32>
    %convert_element_type3A_436 = arith.sitofp %convert_element_type3A_435 : vector<2048x512xi32> to vector<2048x512xf32>
    %convert_element_type3A_437 = arith.truncf %convert_element_type3A_436 : vector<2048x512xf32> to vector<2048x512xbf16>
    %dot_general3A_438 = arith.constant dense<0.000000e+00> : vector<4x512xf32>
    %dot_general3A_439 = tpu.matmul %convert_element_type3A_156, %convert_element_type3A_429, %dot_general3A_438 {dimension_numbers = #tpu.dot_dimension_numbers<[1], [0], [0], [1], [0, 0, 1, 1], [], []>, transpose_lhs_hint = false} : vector<4x2048xbf16>, vector<2048x512xbf16>, vector<4x512xf32> -> vector<4x512xf32>
    %dot_general3A_440 = arith.constant dense<0.000000e+00> : vector<4x512xf32>
    %dot_general3A_441 = tpu.matmul %convert_element_type3A_162, %convert_element_type3A_437, %dot_general3A_440 {dimension_numbers = #tpu.dot_dimension_numbers<[1], [0], [0], [1], [0, 0, 1, 1], [], []>, transpose_lhs_hint = false} : vector<4x2048xbf16>, vector<2048x512xbf16>, vector<4x512xf32> -> vector<4x512xf32>
    %add3A_442 = arith.addf %dot_general3A_439, %dot_general3A_441 : vector<4x512xf32>
    %slice3A_443 = vector.extract_strided_slice %add3A_442 {offsets = [0, 0], sizes = [1, 512], strides = [1, 1]} : vector<4x512xf32> to vector<1x512xf32>
    %mul3A_444 = arith.constant 6.400000e+01 : f32
    %mul3A_445 = vector.broadcast %mul3A_444 : f32 to vector<1x512xf32>
    %mul3A_446 = arith.mulf %slice3A_443, %mul3A_445 : vector<1x512xf32>
    %slice3A_447 = vector.extract_strided_slice %add3A_442 {offsets = [1, 0], sizes = [1, 512], strides = [1, 1]} : vector<4x512xf32> to vector<1x512xf32>
    %add3A_448 = arith.addf %mul3A_446, %slice3A_447 : vector<1x512xf32>
    %convert_element_type3A_449 = arith.fptosi %add3A_448 : vector<1x512xf32> to vector<1x512xi32>
    %swap3A_450 = arith.constant 7 : index
    %swap3A_451 = arith.constant 0 : index
    %swap3A_452 = vector.load %arg5[%swap3A_450, %swap3A_451] : memref<8x512xi32, #tpu.memory_space<vmem>>, vector<1x512xi32>
    tpu.vector_store %arg5[%swap3A_450, %swap3A_451], %convert_element_type3A_449 {strides = array<i32>} : memref<8x512xi32, #tpu.memory_space<vmem>>, vector<1x512xi32>,
    %slice3A_453 = vector.extract_strided_slice %add3A_442 {offsets = [2, 0], sizes = [1, 512], strides = [1, 1]} : vector<4x512xf32> to vector<1x512xf32>
    %slice3A_454 = vector.extract_strided_slice %add3A_442 {offsets = [3, 0], sizes = [1, 512], strides = [1, 1]} : vector<4x512xf32> to vector<1x512xf32>
    %add3A_455 = arith.addf %slice3A_453, %slice3A_454 : vector<1x512xf32>
    %swap3A_456 = arith.constant 7 : index
    %swap3A_457 = arith.constant 0 : index
    %swap3A_458 = vector.load %arg6[%swap3A_456, %swap3A_457] : memref<8x512xf32, #tpu.memory_space<vmem>>, vector<1x512xf32>
    tpu.vector_store %arg6[%swap3A_456, %swap3A_457], %add3A_455 {strides = array<i32>} : memref<8x512xf32, #tpu.memory_space<vmem>>, vector<1x512xf32>,
    return
  }
}

module attributes {stable_mosaic.version = 14 : i64} {
  func.func @_expert_body(%arg0: i32, %arg1: memref<4096xi32, #tpu.memory_space<smem>>, %arg2: memref<64x1xf32, #tpu.memory_space<vmem>>, %arg3: memref<2048x768xf32, #tpu.memory_space<vmem>>, %arg4: memref<1x768x1536xf32, #tpu.memory_space<vmem>>, %arg5: memref<1x768x1536xf32, #tpu.memory_space<vmem>>, %arg6: memref<1x1536x768xf32, #tpu.memory_space<vmem>>, %arg7: memref<64x768xf32, #tpu.memory_space<vmem>>, %arg8: memref<64x768xf32, #tpu.memory_space<vmem>>) attributes {dimension_semantics = [#tpu.dimension_semantics<arbitrary>], iteration_bounds = array<i64: 65>, scalar_prefetch = 1 : i64, scratch_operands = 1 : i64, tpu.core_type = #tpu.core_type<tc>, window_params = [{transform_indices = @transform_0, window_bounds = array<i64: 64, 1>}, {pipeline_mode = #tpu.pipeline_mode<synchronous>, transform_indices = @transform_1, window_bounds = array<i64: 2048, 768>}, {transform_indices = @transform_2, window_bounds = array<i64: 1, 768, 1536>}, {transform_indices = @transform_3, window_bounds = array<i64: 1, 768, 1536>}, {transform_indices = @transform_4, window_bounds = array<i64: 1, 1536, 768>}, {transform_indices = @transform_5, window_bounds = array<i64: 64, 768>}]} {
    %eq3A = arith.constant 64 : i32
    %eq3A_0 = arith.cmpi eq, %arg0, %eq3A : i32
    %convert_element_type3A = arith.extui %eq3A_0 : i1 to i32
    %cond3A = arith.constant 0 : i32
    %cond3A_1 = arith.cmpi ne, %convert_element_type3A, %cond3A : i32
    scf.if %cond3A_1 {
      %broadcast_in_dim3A = arith.constant 0.000000e+00 : f32
      %broadcast_in_dim3A_6 = vector.broadcast %broadcast_in_dim3A : f32 to vector<64x768xf32>
      %swap3A = arith.constant 0 : index
      %swap3A_7 = arith.constant 0 : index
      %swap3A_8 = vector.load %arg7[%swap3A, %swap3A_7] : memref<64x768xf32, #tpu.memory_space<vmem>>, vector<64x768xf32>
      tpu.vector_store %arg7[%swap3A, %swap3A_7], %broadcast_in_dim3A_6 {strides = array<i32>} : memref<64x768xf32, #tpu.memory_space<vmem>>, vector<64x768xf32>,
    } else {
    }
    %lt3A = arith.constant 64 : i32
    %lt3A_2 = arith.cmpi slt, %arg0, %lt3A : i32
    %convert_element_type3A_3 = arith.extui %lt3A_2 : i1 to i32
    %cond3A_4 = arith.constant 0 : i32
    %cond3A_5 = arith.cmpi ne, %convert_element_type3A_3, %cond3A_4 : i32
    scf.if %cond3A_5 {
      %scan3A = arith.constant 0 : i32
      %scan3A_6 = arith.constant 64 : i32
      %scan3A_7 = arith.addi %scan3A, %scan3A_6 : i32
      %scan3A_8 = arith.constant 1 : i32
      scf.for %scan3A_51 = %scan3A to %scan3A_7 step %scan3A_8  : i32 {
        %mul3A_52 = arith.constant 64 : i32
        %mul3A_53 = arith.muli %arg0, %mul3A_52 : i32
        %add3A_54 = arith.addi %mul3A_53, %scan3A_51 : i32
        %get3A_55 = arith.index_cast %add3A_54 : i32 to index
        %get3A_56 = memref.load %arg1[%get3A_55] : memref<4096xi32, #tpu.memory_space<smem>>
        %get3A_57 = arith.index_cast %get3A_56 : i32 to index
        %get3A_58 = arith.constant 0 : index
        %get3A_59 = vector.load %arg3[%get3A_57, %get3A_58] : memref<2048x768xf32, #tpu.memory_space<vmem>>, vector<1x768xf32>
        %swap3A_60 = arith.index_cast %scan3A_51 : i32 to index
        %swap3A_61 = arith.constant 0 : index
        %swap3A_62 = vector.load %arg8[%swap3A_60, %swap3A_61] : memref<64x768xf32, #tpu.memory_space<vmem>>, vector<1x768xf32>
        tpu.vector_store %arg8[%swap3A_60, %swap3A_61], %get3A_59 {strides = array<i32>} : memref<64x768xf32, #tpu.memory_space<vmem>>, vector<1x768xf32>,
      }
      %scan3A_9 = arith.constant 64 : i32
      %get3A = arith.constant 0 : index
      %get3A_10 = arith.constant 0 : index
      %get3A_11 = vector.load %arg8[%get3A, %get3A_10] : memref<64x768xf32, #tpu.memory_space<vmem>>, vector<64x768xf32>
      %convert_element_type3A_12 = arith.truncf %get3A_11 : vector<64x768xf32> to vector<64x768xbf16>
      %get3A_13 = arith.constant 0 : index
      %get3A_14 = arith.constant 0 : index
      %get3A_15 = arith.constant 0 : index
      %get3A_16 = vector.load %arg4[%get3A_13, %get3A_14, %get3A_15] : memref<1x768x1536xf32, #tpu.memory_space<vmem>>, vector<1x768x1536xf32>
      %get3A_17 = vector.shape_cast %get3A_16 : vector<1x768x1536xf32> to vector<768x1536xf32>
      %convert_element_type3A_18 = arith.truncf %get3A_17 : vector<768x1536xf32> to vector<768x1536xbf16>
      %get3A_19 = arith.constant 0 : index
      %get3A_20 = arith.constant 0 : index
      %get3A_21 = arith.constant 0 : index
      %get3A_22 = vector.load %arg5[%get3A_19, %get3A_20, %get3A_21] : memref<1x768x1536xf32, #tpu.memory_space<vmem>>, vector<1x768x1536xf32>
      %get3A_23 = vector.shape_cast %get3A_22 : vector<1x768x1536xf32> to vector<768x1536xf32>
      %convert_element_type3A_24 = arith.truncf %get3A_23 : vector<768x1536xf32> to vector<768x1536xbf16>
      %get3A_25 = arith.constant 0 : index
      %get3A_26 = arith.constant 0 : index
      %get3A_27 = arith.constant 0 : index
      %get3A_28 = vector.load %arg6[%get3A_25, %get3A_26, %get3A_27] : memref<1x1536x768xf32, #tpu.memory_space<vmem>>, vector<1x1536x768xf32>
      %get3A_29 = vector.shape_cast %get3A_28 : vector<1x1536x768xf32> to vector<1536x768xf32>
      %convert_element_type3A_30 = arith.truncf %get3A_29 : vector<1536x768xf32> to vector<1536x768xbf16>
      %dot_general3A = arith.constant dense<0.000000e+00> : vector<64x1536xf32>
      %dot_general3A_31 = tpu.matmul %convert_element_type3A_12, %convert_element_type3A_18, %dot_general3A {dimension_numbers = #tpu.dot_dimension_numbers<[1], [0], [0], [1], [0, 0, 1, 1], [], []>, transpose_lhs_hint = false} : vector<64x768xbf16>, vector<768x1536xbf16>, vector<64x1536xf32> -> vector<64x1536xf32>
      %dot_general3A_32 = arith.constant dense<0.000000e+00> : vector<64x1536xf32>
      %dot_general3A_33 = tpu.matmul %convert_element_type3A_12, %convert_element_type3A_24, %dot_general3A_32 {dimension_numbers = #tpu.dot_dimension_numbers<[1], [0], [0], [1], [0, 0, 1, 1], [], []>, transpose_lhs_hint = false} : vector<64x768xbf16>, vector<768x1536xbf16>, vector<64x1536xf32> -> vector<64x1536xf32>
      %neg3A = arith.constant 0.000000e+00 : f32
      %neg3A_34 = vector.broadcast %neg3A : f32 to vector<64x1536xf32>
      %neg3A_35 = arith.subf %neg3A_34, %dot_general3A_31 : vector<64x1536xf32>
      %exp3A = math.exp %neg3A_35 : vector<64x1536xf32>
      %add3A = arith.constant 1.000000e+00 : f32
      %add3A_36 = vector.broadcast %add3A : f32 to vector<64x1536xf32>
      %add3A_37 = arith.addf %add3A_36, %exp3A : vector<64x1536xf32>
      %div3A = arith.constant 1.000000e+00 : f32
      %div3A_38 = vector.broadcast %div3A : f32 to vector<64x1536xf32>
      %div3A_39 = arith.divf %div3A_38, %add3A_37 : vector<64x1536xf32>
      %mul3A = arith.mulf %dot_general3A_31, %div3A_39 : vector<64x1536xf32>
      %mul3A_40 = arith.mulf %mul3A, %dot_general3A_33 : vector<64x1536xf32>
      %convert_element_type3A_41 = arith.truncf %mul3A_40 : vector<64x1536xf32> to vector<64x1536xbf16>
      %dot_general3A_42 = arith.constant dense<0.000000e+00> : vector<64x768xf32>
      %dot_general3A_43 = tpu.matmul %convert_element_type3A_41, %convert_element_type3A_30, %dot_general3A_42 {dimension_numbers = #tpu.dot_dimension_numbers<[1], [0], [0], [1], [0, 0, 1, 1], [], []>, transpose_lhs_hint = false} : vector<64x1536xbf16>, vector<1536x768xbf16>, vector<64x768xf32> -> vector<64x768xf32>
      %get3A_44 = arith.constant 0 : index
      %get3A_45 = arith.constant 0 : index
      %get3A_46 = vector.load %arg2[%get3A_44, %get3A_45] : memref<64x1xf32, #tpu.memory_space<vmem>>, vector<64x1xf32>
      %mul3A_47 = vector.broadcast %get3A_46 : vector<64x1xf32> to vector<64x768xf32>
      %mul3A_48 = arith.mulf %dot_general3A_43, %mul3A_47 : vector<64x768xf32>
      %swap3A = arith.constant 0 : index
      %swap3A_49 = arith.constant 0 : index
      %swap3A_50 = vector.load %arg7[%swap3A, %swap3A_49] : memref<64x768xf32, #tpu.memory_space<vmem>>, vector<64x768xf32>
      tpu.vector_store %arg7[%swap3A, %swap3A_49], %mul3A_48 {strides = array<i32>} : memref<64x768xf32, #tpu.memory_space<vmem>>, vector<64x768xf32>,
    } else {
    }
    return
  }
  func.func @transform_0(%arg0: i32, %arg1: memref<4096xi32, #tpu.memory_space<smem>>) -> (i32, i32) {
    %min3A = arith.constant 63 : i32
    %min3A_0 = arith.minsi %arg0, %min3A : i32
    %c0_i32 = arith.constant 0 : i32
    %c0_i32_1 = arith.constant 0 : i32
    return %min3A_0, %c0_i32 : i32, i32
  }
  func.func @transform_1(%arg0: i32, %arg1: memref<4096xi32, #tpu.memory_space<smem>>) -> (i32, i32) {
    %c0_i32 = arith.constant 0 : i32
    %c0_i32_0 = arith.constant 0 : i32
    %c0_i32_1 = arith.constant 0 : i32
    return %c0_i32, %c0_i32_0 : i32, i32
  }
  func.func @transform_2(%arg0: i32, %arg1: memref<4096xi32, #tpu.memory_space<smem>>) -> (i32, i32, i32) {
    %min3A = arith.constant 63 : i32
    %min3A_0 = arith.minsi %arg0, %min3A : i32
    %c0_i32 = arith.constant 0 : i32
    %c0_i32_1 = arith.constant 0 : i32
    %c0_i32_2 = arith.constant 0 : i32
    return %min3A_0, %c0_i32, %c0_i32_1 : i32, i32, i32
  }
  func.func @transform_3(%arg0: i32, %arg1: memref<4096xi32, #tpu.memory_space<smem>>) -> (i32, i32, i32) {
    %min3A = arith.constant 63 : i32
    %min3A_0 = arith.minsi %arg0, %min3A : i32
    %c0_i32 = arith.constant 0 : i32
    %c0_i32_1 = arith.constant 0 : i32
    %c0_i32_2 = arith.constant 0 : i32
    return %min3A_0, %c0_i32, %c0_i32_1 : i32, i32, i32
  }
  func.func @transform_4(%arg0: i32, %arg1: memref<4096xi32, #tpu.memory_space<smem>>) -> (i32, i32, i32) {
    %min3A = arith.constant 63 : i32
    %min3A_0 = arith.minsi %arg0, %min3A : i32
    %c0_i32 = arith.constant 0 : i32
    %c0_i32_1 = arith.constant 0 : i32
    %c0_i32_2 = arith.constant 0 : i32
    return %min3A_0, %c0_i32, %c0_i32_1 : i32, i32, i32
  }
  func.func @transform_5(%arg0: i32, %arg1: memref<4096xi32, #tpu.memory_space<smem>>) -> (i32, i32) {
    %c0_i32 = arith.constant 0 : i32
    %c0_i32_0 = arith.constant 0 : i32
    return %arg0, %c0_i32 : i32, i32
  }
}

</mosaic_0001>

<sc_bundles>
// kernel: kernel.5.cloned.1.call-start
scs
__scs_entry_jumppad:
0x0: {  	(pc) =	sbr.rel $0x88, $3  }
0x1: {  	(tag) =	ssettag $0x0;
	lr =	simm.s32 $0x1  }
0x2: {  	[smem:$0x3F9C] =	sst lr;
	_ =	strace $0xD0000000  }
0x3: {  	_ = 	snop  }
0x4: {  	_ = 	snop  }
0x5: {  	_ = 	snop  }
0x6: {  	_ = 	snop  }
0x7: {  	_ = 	snop  }
__scs_overlays_trampoline_lowered:
0x8: {  	[smem:$0x3FAB] =	sst s0  }
0x9: {  	[smem:$0x3FAC] =	sst s1  }
0xa: {  	[smem:$0x3FAD] =	sst s2  }
0xb: {  	[smem:$0x3FAE] =	sst s3  }
0xc: {  	[smem:$0x3FAF] =	sst s4  }
0xd: {  	[smem:$0x3FB0] =	sst s5  }
0xe: {  	[smem:$0x3FB1] =	sst s6  }
0xf: {  	[smem:$0x3FB2] =	sst s7  }
0x10: {  	[smem:$0x3FB3] =	sst s8  }
0x11: {  	[smem:$0x3FB4] =	sst s9;
	s0 =	simm.s32 @!p0 $0x0  }
0x12: {  	s1 =	sld [smem:$0x3F9A];
	s0 =	simm.s32 @p0 $0x1  }
0x13: {  	[smem:$0x3FB5] =	sst s0;
	s0 =	simm.s32 @!p1 $0x0  }
0x14: {  	s2 =	sld [smem:$0x3F99];
	s0 =	simm.s32 @p1 $0x1  }
0x15: {  	[smem:$0x3FB6] =	sst s0;
	s0 =	simm.s32 @!p2 $0x0  }
0x16: {  	s3 =	sld [smem:$0x3FDB];
	s0 =	simm.s32 @p2 $0x1  }
0x17: {  	s4 =	simm.s32 $0x1BF5;
	[smem:$0x3FB8] =	sst s0  }
0x18: {  	s0 =	sld [smem:$0x3F9B];
	_ =	swait.ge [sflag:s4], $0x0  }
0x19: {  	s7 =	sld [smem:$0x3F9C]  }
0x1a: {  	s8 =	sadd.s32 $0xFFFFE003, lr  }
0x1b: {  	s9 =	sadd.s32 $0xFFFFFEF7, lr;
	s5 =	simm.s32 $0xFFFFFFFF;
	p2 =	slt.u32 s8, $0xFFFFF086  }
0x1c: {  	p1 =	slt.u32 s9, $0xF7A;
	s5 =	simm.s32 @!p2 $0x0  }
0x1d: {  	s5 =	simm.s32 @p1 $0x1;
	p0 =	seq.s32 s7, s2  }
0x1e: {  	s7 =	smul.u32 @!p0 $0xF7A, s2;
	p2 =	seq.s32 @!p0 s5, $0x0  }
0x1f: {  	s9 =	smul.u32 $0xF7A, s1;
	s8 =	simm.s32 @!p0 $0x1BF5;
	p2 =	por !p2, p0  }
0x20: {  	[sflag:s8] =	ssyncset.s32 @!p0 $0xFFFFF086;
	s6 =	sadd.s32 @!p0 s3, s7;
	s7 =	simm.s32 @!p0 $0x108  }
0x21: {  	s3 =	sadd.s32 s3, s9;
	s6 =	sadd.s32 @!p0 $0x88, s6;
	s7 =	simm.s32 @p2 $0x1082  }
0x22: {  	[simem:s7], [sflag:s8] =	dma.local @!p0 [hbm:s6], $0xF7A  }
0x23: {  	s9 =	sor.u32 $0xD0000000, s2;
	s6 =	simm.s32 $0x108;
	_ =	swait.ge @!p0 [sflag:s8], $0x0  }
0x24: {  	s3 =	sadd.s32 $0x88, s3;
	s6 =	simm.s32 @!p1 $0x1082;
	[sflag:s4] =	ssyncset.s32 $0xFFFFF086  }
0x25: {  	[simem:s6], [sflag:s4] =	dma.local [hbm:s3], $0xF7A  }
0x26: {  	[smem:$0x3F9C] =	sst s1;
	(tag) =	ssettag s2;
	_ =	strace s9  }
0x27: {  	s1 =	sld [smem:$0x3FAC]  }
0x28: {  	s2 =	sld [smem:$0x3FAD]  }
0x29: {  	s4 =	sld [smem:$0x3FAF]  }
0x2a: {  	p0 =	seq.s32 s5, $0x0;
	s5 =	sld [smem:$0x3FB0]  }
0x2b: {  	s6 =	sld [smem:$0x3FB1]  }
0x2c: {  	s7 =	sld [smem:$0x3FB2]  }
0x2d: {  	s3 =	simm.s32 $0x108;
	s8 =	sld [smem:$0x3FB3]  }
0x2e: {  	s3 =	simm.s32 @!p0 $0x1082;
	s9 =	sld [smem:$0x3FB4]  }
0x2f: {  	lr =	sadd.s32 s0, s3;
	s0 =	sld [smem:$0x3FAB]  }
0x30: {  	s3 =	sld [smem:$0x3FAE]  }
0x31: {  	[smem:$0x3FB7] =	sst s10  }
0x32: {  	s10 =	sld [smem:$0x3FB5];
	_ =	sdelay $0x3  }
0x33: {  	p0 =	seq.s32 s10, $0x1;
	s10 =	sld [smem:$0x3FB7];
	_ =	sdelay $0x3  }
0x34: {  	[smem:$0x3FB7] =	sst s10  }
0x35: {  	s10 =	sld [smem:$0x3FB6];
	_ =	sdelay $0x3  }
0x36: {  	p1 =	seq.s32 s10, $0x1;
	s10 =	sld [smem:$0x3FB7];
	_ =	sdelay $0x3  }
0x37: {  	[smem:$0x3FB7] =	sst s10  }
0x38: {  	s10 =	sld [smem:$0x3FB8]  }
0x39: {  	_ = 	snop;
	(pc) =	sbr.ind lr, $3  }
0x3a: {  	_ = 	snop  }
0x3b: {  	_ = 	snop  }
0x3c: {  	p2 =	seq.s32 s10, $0x1;
	s10 =	sld [smem:$0x3FB7]  }
0x3d: {  	_ =	shalt  }
0x3e: {  	_ =	shalt  }
0x3f: {  	_ =	shalt  }
0x40: {  	_ =	shalt  }
0x41: {  	_ =	shalt  }
0x42: {  	_ =	shalt  }
0x43: {  	_ =	shalt  }
0x44: {  	_ =	shalt  }
0x45: {  	_ =	shalt  }
0x46: {  	_ =	shalt  }
0x47: {  	_ =	shalt  }
0x48: {  	_ =	shalt  }
0x49: {  	_ =	shalt  }
0x4a: {  	_ =	shalt  }
0x4b: {  	_ =	shalt  }
0x4c: {  	_ =	shalt  }
0x4d: {  	_ =	shalt  }
0x4e: {  	_ =	shalt  }
0x4f: {  	_ =	shalt  }
0x50: {  	_ =	shalt  }
0x51: {  	_ =	shalt  }
0x52: {  	_ =	shalt  }
0x53: {  	_ =	shalt  }
0x54: {  	_ =	shalt  }
0x55: {  	_ =	shalt  }
0x56: {  	_ =	shalt  }
0x57: {  	_ =	shalt  }
0x58: {  	_ =	shalt  }
0x59: {  	_ =	shalt  }
0x5a: {  	_ =	shalt  }
0x5b: {  	_ =	shalt  }
0x5c: {  	_ =	shalt  }
0x5d: {  	_ =	shalt  }
0x5e: {  	_ =	shalt  }
0x5f: {  	_ =	shalt  }
0x60: {  	_ =	shalt  }
0x61: {  	_ =	shalt  }
0x62: {  	_ =	shalt  }
0x63: {  	_ =	shalt  }
0x64: {  	_ =	shalt  }
0x65: {  	_ =	shalt  }
0x66: {  	_ =	shalt  }
0x67: {  	_ =	shalt  }
0x68: {  	_ =	shalt  }
0x69: {  	_ =	shalt  }
0x6a: {  	_ =	shalt  }
0x6b: {  	_ =	shalt  }
0x6c: {  	_ =	shalt  }
0x6d: {  	_ =	shalt  }
0x6e: {  	_ =	shalt  }
0x6f: {  	_ =	shalt  }
0x70: {  	_ =	shalt  }
0x71: {  	_ =	shalt  }
0x72: {  	_ =	shalt  }
0x73: {  	_ =	shalt  }
0x74: {  	_ =	shalt  }
0x75: {  	_ =	shalt  }
0x76: {  	_ =	shalt  }
0x77: {  	_ =	shalt  }
0x78: {  	_ =	shalt  }
0x79: {  	_ =	shalt  }
0x7a: {  	_ =	shalt  }
0x7b: {  	_ =	shalt  }
0x7c: {  	_ =	shalt  }
0x7d: {  	_ =	shalt  }
0x7e: {  	_ =	shalt  }
0x7f: {  	_ =	shalt  }
0x80: {  	_ =	shalt  }
0x81: {  	_ =	shalt  }
0x82: {  	_ =	shalt  }
0x83: {  	_ =	shalt  }
0x84: {  	_ =	shalt  }
0x85: {  	_ =	shalt  }
0x86: {  	_ =	shalt  }
0x87: {  	_ =	shalt  }
.Lfunc_end0:
.L_simem_size_0:
called_computation_lowered:
.L_overlay_start_0:
0x88: {  	s2 =	sld [smem:$0x3FD9]  }
0x89: {  	s3 =	sld [smem:$0x3FFE];
	_ =	sdelay $0x1  }
0x8a: {  	s1 =	srdreg.scid  }
0x8b: {  	s0 =	sand.u32 $0x1, s1  }
0x8c: {  	s16 =	sshll.u32 s0, $0xA;
	s2 =	sadd.s32 s3, s2  }
0x8d: {  	s2 =	sadd.s32 s2, s16  }
0x8e: {  	[smem:$0x3FC3] =	sst s2  }
0x8f: {  	_ = 	snop  }
0x90: {  	(tm) =	ssettm $0x1  }
0x91: {  	s17 =	sld [smem:$0x3FFB];
	_ =	sdelay $0x3  }
0x92: {  	_ =	strace s17  }
0x93: {  	s2 =	sld [smem:$0x3FFC];
	_ =	sdelay $0x3  }
0x94: {  	_ =	strace s2  }
0x95: {  	s2 =	sld [smem:$0x3FFD];
	_ =	sdelay $0x3  }
0x96: {  	_ =	strace s2  }
0x97: {  	_ =	strace $0x8FFFFFFF  }
0x98: {  	s18 =	sld [smem:$0x3FDB];
	_ =	sdelay $0x1  }
0x99: {  	s19 =	simm.s32 $_scs_section_size  }
0x9a: {  	s4 =	simm.s32 $_size__tile_overlayer_lowered;
	s5 =	simm.s32 $_tile_overlayer_lowered  }
0x9b: {  	s22 =	simm.s32 $0x1BFF;
	s21 =	sshll.u32 s5, $0x1;
	s2 =	sadd.s32 s19, s18  }
0x9c: {  	s6 =	simm.s32 $0x0;
	s20 =	sshll.u32 s4, $0x1;
	s4 =	sadd.s32 s21, s2  }
0x9d: {  	[timem:s6], [sflag:s22] =	dma.local [hbm:s4], s20  }
0x9e: {  	_ =	swait.ge [sflag:s22], s20  }
0x9f: {  	s3 =	ssub.s32 $0x0, s20;
	[sflag:s22] =	ssyncset.done $0x0  }
0xa0: {  	[sflag:s22] =	ssyncadd.s32 s3;
	_ =	sdelay $0x1  }
0xa1: {  	s23 =	simm.s32 $0x1B8B  }
0xa2: {  	_ =	swait.ge [sflag:s23], $0x1  }
0xa3: {  	[sflag:s23] =	ssyncset.done $0x0  }
0xa4: {  	s25 =	simm.s32 $0x1B8E;
	s24 =	sld [smem:$0x3FFE];
	[sflag:s23] =	ssyncadd.s32 $0xFFFFFFFF  }
0xa5: {  	s26 =	simm.s32 $execute0_lowered;
	[smem:$0x3FD2] =	sst s25  }
0xa6: {  	s4 =	sshll.u32 s26, $0x1;
	_ =	strace $0x80000046;
	[dreg:$0x1] =	wrdreg $0xFFFFFFFF  }
0xa7: {  	s28 =	simm.s32 $_size_execute0_lowered;
	s2 =	sadd.s32 s2, s4;
	[dreg:$0x0] =	wrdreg $0x0  }
0xa8: {  	s4 =	sshll.u32 s28, $0x1;
	[dreg:$0x2] =	wrdreg s2  }
0xa9: {  	[dreg:$0x3] =	wrdreg s4  }
0xaa: {  	[dreg:$0x4] =	wrdreg $0xC0  }
0xab: {  	_ =	task [dreg:s6], $0x5FFFF  }
0xac: {  	[dreg:$0x1] =	wrdreg $0xFFFFFFFF  }
0xad: {  	[dreg:$0x0] =	wrdreg $0x60  }
0xae: {  	[dreg:$0x2] =	wrdreg s24  }
0xaf: {  	[dreg:$0x3] =	wrdreg $0x9  }
0xb0: {  	_ =	task.clear_ibuf [dreg:s6], $0x4FFFF;
	_ =	strace $0x90000046  }
0xb1: {  	s29 =	simm.s32 $0x9;
	_ =	strace $0x80000048  }
0xb2: {  	_ =	swait.ge [sflag:s29], $0x1  }
0xb3: {  	[sflag:s29] =	ssyncadd.s32 $0xFFFFFFFF  }
0xb4: {  	_ =	strace $0x90000048  }
0xb5: {  	_ =	sfence  }
0xb6: {  	s30 =	sld [smem:$0x0];
	_ =	sdelay $0x2  }
0xb7: {  	s31 =	sshll.u32 s1, $0xD;
	s1 =	sshrl.u32 s1, $0x2  }
0xb8: {  	s3 =	sand.u32 $0x4000, s31;
	s1 =	sadd.s32 s1, s30  }
0xb9: {  	s0 =	sor.u32 s3, s0;
	s1 =	sshll.u32 s1, $0x11  }
0xba: {  	s0 =	sor.u32 s1, s0  }
0xbb: {  	s0 =	sadd.s32 $0x8F2B, s0  }
0xbc: {  	[sflag:s0] =	ssyncadd.remote.s32 $0x1  }
0xbd: {  	_ =	sfence.sel $0xFFFF  }
0xbe: {  	[dreg:$0x0] =	wrdreg $0xFFFFFFFF;
	(pc) =	sbr.abs _section_cstart, $3  }
0xbf: {  	[dreg:$0x1] =	wrdreg $0xFFFFFFFF  }
0xc0: {  	_ =	task.clear_ibuf [dreg:s6], $0x2FFFF;
	_ =	strace $0x9FFFFFFF  }
0xc1: {  	(tm) =	ssettm $0x7FFFFFFF  }
tec
execute0_lowered:
.L_overlay_start_1:
0x0: {  	(tag) =	ssettag $0x1  }
0x1: {  	s0 =	srdreg.scid;
	s2 =	stileid.u32  }
0x2: {  	s1 =	rddreg [dreg:$0x0];
	s10 =	simm.s32 $0x3;
	s12 =	simm.s32 $0x100  }
0x3: {  	s28 =	simm.s32 $0x12100;
	s29 =	simm.s32 $0x12900;
	s30 =	simm.s32 $0x13100  }
0x4: {  	s31 =	simm.s32 $0x13900;
	s11 =	simm.s32 $0x15100;
	s13 =	simm.s32 $0x15900  }
0x5: {  	s14 =	simm.s32 $0x16100;
	s15 =	simm.s32 $0x16900;
	s16 =	simm.s32 $0x17100  }
0x6: {  	s17 =	simm.s32 $0x17900;
	s18 =	simm.s32 $0x1;
	s19 =	simm.s32 $0x2  }
0x7: {  	s20 =	simm.s32 $0x0;
	s0 =	sand.u32 $0x1, s0;
	s3 =	sshll.u32 s2, $0x4  }
0x8: {  	s2 =	simm.s32 $0x0;
	s7 =	sadd.s32 $0x800, s1;
	s4 =	sshll.u32 s0, $0x3  }
0x9: {  	[smem:$0x7FF] =	sst s2;
	s0 =	ssub.s32 $0x2, s0;
	s4 =	sor.u32 s4, s3  }
0xa: {  	_ =	strace $0x80000047;
	s3 =	sadd.s32 $0x600, s1;
	s26 =	sshrl.u32 s0, $0x1  }
0xb: {  	s5 =	smul.u32 $0x300, s4;
	s6 =	sadd.s32 s4, s1;
	s0 =	ssub.s32 s0, s26  }
0xc: {  	v2 =	vlaneseq.u32;
	s26 =	simm.s32 $0x11900;
	s4 =	sadd.s32 $0x200, s6;
	s9 =	smax.u32 s0, $0x1  }
0xd: {  	vm0 =	vmmov $0xffff;
	v1 =	vshrl.u32 v2, $0x3;
	s0 =	simm.s32 $0x14900;
	s8 =	sadd.s32 s5, s1;
	s5 =	sadd.s32 $0x400, s6  }
0xe: {  	v0 =	vand.u32 $0x7, v2;
	v2 =	vor.u32 $0x8, v2;
	v1 =	vmul.u32 $0x8, v1;
	s6 =	sadd.s32 $0x700, s1;
	s1 =	simm.s32 $0x14100;
	s8 =	sadd.s32 $0x61E00, s8  }
.LBB2_1:
0xf: {  	[tilespmem:s2], [sflag:$0x3] =	stream.linear.gather [hbm4b:s4+s2], $0x40, $0x38;
	[tilespmem:$0x18100] =	vst v63  }
0x10: {  	_ =	swait.ge [sflag:s10], $0x40  }
0x11: {  	[sflag:s10] =	ssyncset.done $0x0  }
0x12: {  	s21 =	simm.s32 $0x80;
	[sflag:s10] =	ssyncadd.s32 $0xFFFFFFC0  }
0x13: {  	[tilespmem:s21], [sflag:$0x3] =	stream.linear.gather [hbm4b:s5+s2], $0x40, $0x38;
	[tilespmem:$0x18100] =	vst v63  }
0x14: {  	_ =	swait.ge [sflag:s10], $0x40  }
0x15: {  	[sflag:s10] =	ssyncset.done $0x0  }
0x16: {  	[sflag:s10] =	ssyncadd.s32 $0xFFFFFFC0  }
0x17: {  	v3 =	vld [tilespmem:$0x0];
	_ =	sdelay $0x4  }
0x18: {  	v4 =	vshrl.u32 v3, $0x3  }
0x19: {  	v4 =	vmul.u32 $0x30, v4  }
0x1a: {  	v3 =	vand.u32 $0x7, v3  }
0x1b: {  	v3 =	vor.u32 v3, v4  }
0x1c: {  	v4 =	vperm.xlane v3, v0;
	_ =	sdelay $0x1  }
0x1d: {  	v4 =	vadd.s32 v1, v4;
	_ =	sdelay $0x3  }
0x1e: {  	v3 =	vperm.xlane v3, v2  }
0x1f: {  	[tilespmem:s12], [sflag:$0x1] =	stream.indirect_vreg.gather [hbm4b:s3+s2], $0x80, v4, vm0, $0xb8;
	[tilespmem:$0x18100] =	vst v63  }
0x20: {  	s23 =	simm.s32 $0x900;
	v3 =	vadd.s32 v1, v3  }
0x21: {  	[tilespmem:s23], [sflag:$0x1] =	stream.indirect_vreg.gather [hbm4b:s6+s2], $0x80, v4, vm0, $0xb8;
	[tilespmem:$0x18100] =	vst v63  }
0x22: {  	s24 =	simm.s32 $0x1100  }
0x23: {  	[tilespmem:s24], [sflag:$0x1] =	stream.indirect_vreg.gather [hbm4b:s7+s2], $0x80, v4, vm0, $0xb8;
	[tilespmem:$0x18100] =	vst v63  }
0x24: {  	s25 =	simm.s32 $0x1900  }
0x25: {  	[tilespmem:s25], [sflag:$0x1] =	stream.indirect_vreg.gather [hbm4b:s3+s2], $0x80, v3, vm0, $0xb8;
	[tilespmem:$0x18100] =	vst v63  }
0x26: {  	s22 =	simm.s32 $0x2100  }
0x27: {  	[tilespmem:s22], [sflag:$0x1] =	stream.indirect_vreg.gather [hbm4b:s6+s2], $0x80, v3, vm0, $0xb8;
	[tilespmem:$0x18100] =	vst v63  }
0x28: {  	s23 =	simm.s32 $0x2900  }
0x29: {  	[tilespmem:s23], [sflag:$0x1] =	stream.indirect_vreg.gather [hbm4b:s7+s2], $0x80, v3, vm0, $0xb8;
	[tilespmem:$0x18100] =	vst v63  }
0x2a: {  	v3 =	vld [tilespmem:$0x10];
	_ =	sdelay $0x4  }
0x2b: {  	v4 =	vshrl.u32 v3, $0x3  }
0x2c: {  	v4 =	vmul.u32 $0x30, v4  }
0x2d: {  	v3 =	vand.u32 $0x7, v3  }
0x2e: {  	v3 =	vor.u32 v3, v4  }
0x2f: {  	v4 =	vperm.xlane v3, v0;
	_ =	sdelay $0x1  }
0x30: {  	v4 =	vadd.s32 v1, v4;
	_ =	sdelay $0x3  }
0x31: {  	s24 =	simm.s32 $0x3100;
	v3 =	vperm.xlane v3, v2  }
0x32: {  	[tilespmem:s24], [sflag:$0x1] =	stream.indirect_vreg.gather [hbm4b:s3+s2], $0x80, v4, vm0, $0xb8;
	[tilespmem:$0x18100] =	vst v63  }
0x33: {  	s25 =	simm.s32 $0x3900;
	v3 =	vadd.s32 v1, v3  }
0x34: {  	[tilespmem:s25], [sflag:$0x1] =	stream.indirect_vreg.gather [hbm4b:s6+s2], $0x80, v4, vm0, $0xb8;
	[tilespmem:$0x18100] =	vst v63  }
0x35: {  	s22 =	simm.s32 $0x4100  }
0x36: {  	[tilespmem:s22], [sflag:$0x1] =	stream.indirect_vreg.gather [hbm4b:s7+s2], $0x80, v4, vm0, $0xb8;
	[tilespmem:$0x18100] =	vst v63  }
0x37: {  	s23 =	simm.s32 $0x4900  }
0x38: {  	[tilespmem:s23], [sflag:$0x1] =	stream.indirect_vreg.gather [hbm4b:s3+s2], $0x80, v3, vm0, $0xb8;
	[tilespmem:$0x18100] =	vst v63  }
0x39: {  	s24 =	simm.s32 $0x5100  }
0x3a: {  	[tilespmem:s24], [sflag:$0x1] =	stream.indirect_vreg.gather [hbm4b:s6+s2], $0x80, v3, vm0, $0xb8;
	[tilespmem:$0x18100] =	vst v63  }
0x3b: {  	s25 =	simm.s32 $0x5900  }
0x3c: {  	[tilespmem:s25], [sflag:$0x1] =	stream.indirect_vreg.gather [hbm4b:s7+s2], $0x80, v3, vm0, $0xb8;
	[tilespmem:$0x18100] =	vst v63  }
0x3d: {  	v3 =	vld [tilespmem:$0x20];
	_ =	sdelay $0x4  }
0x3e: {  	v4 =	vshrl.u32 v3, $0x3  }
0x3f: {  	v4 =	vmul.u32 $0x30, v4  }
0x40: {  	v3 =	vand.u32 $0x7, v3  }
0x41: {  	v3 =	vor.u32 v3, v4  }
0x42: {  	v4 =	vperm.xlane v3, v0;
	_ =	sdelay $0x1  }
0x43: {  	v4 =	vadd.s32 v1, v4;
	_ =	sdelay $0x3  }
0x44: {  	s22 =	simm.s32 $0x6100;
	v3 =	vperm.xlane v3, v2  }
0x45: {  	[tilespmem:s22], [sflag:$0x1] =	stream.indirect_vreg.gather [hbm4b:s3+s2], $0x80, v4, vm0, $0xb8;
	[tilespmem:$0x18100] =	vst v63  }
0x46: {  	s23 =	simm.s32 $0x6900;
	v3 =	vadd.s32 v1, v3  }
0x47: {  	[tilespmem:s23], [sflag:$0x1] =	stream.indirect_vreg.gather [hbm4b:s6+s2], $0x80, v4, vm0, $0xb8;
	[tilespmem:$0x18100] =	vst v63  }
0x48: {  	s24 =	simm.s32 $0x7100  }
0x49: {  	[tilespmem:s24], [sflag:$0x1] =	stream.indirect_vreg.gather [hbm4b:s7+s2], $0x80, v4, vm0, $0xb8;
	[tilespmem:$0x18100] =	vst v63  }
0x4a: {  	s25 =	simm.s32 $0x7900  }
0x4b: {  	[tilespmem:s25], [sflag:$0x1] =	stream.indirect_vreg.gather [hbm4b:s3+s2], $0x80, v3, vm0, $0xb8;
	[tilespmem:$0x18100] =	vst v63  }
0x4c: {  	s22 =	simm.s32 $0x8100  }
0x4d: {  	[tilespmem:s22], [sflag:$0x1] =	stream.indirect_vreg.gather [hbm4b:s6+s2], $0x80, v3, vm0, $0xb8;
	[tilespmem:$0x18100] =	vst v63  }
0x4e: {  	s23 =	simm.s32 $0x8900  }
0x4f: {  	[tilespmem:s23], [sflag:$0x1] =	stream.indirect_vreg.gather [hbm4b:s7+s2], $0x80, v3, vm0, $0xb8;
	[tilespmem:$0x18100] =	vst v63  }
0x50: {  	v3 =	vld [tilespmem:$0x30];
	_ =	sdelay $0x4  }
0x51: {  	v4 =	vshrl.u32 v3, $0x3  }
0x52: {  	v4 =	vmul.u32 $0x30, v4  }
0x53: {  	v3 =	vand.u32 $0x7, v3  }
0x54: {  	v3 =	vor.u32 v3, v4  }
0x55: {  	v4 =	vperm.xlane v3, v0;
	_ =	sdelay $0x1  }
0x56: {  	v4 =	vadd.s32 v1, v4;
	_ =	sdelay $0x3  }
0x57: {  	s24 =	simm.s32 $0x9100;
	v3 =	vperm.xlane v3, v2  }
0x58: {  	[tilespmem:s24], [sflag:$0x1] =	stream.indirect_vreg.gather [hbm4b:s3+s2], $0x80, v4, vm0, $0xb8;
	[tilespmem:$0x18100] =	vst v63  }
0x59: {  	s25 =	simm.s32 $0x9900;
	v3 =	vadd.s32 v1, v3  }
0x5a: {  	[tilespmem:s25], [sflag:$0x1] =	stream.indirect_vreg.gather [hbm4b:s6+s2], $0x80, v4, vm0, $0xb8;
	[tilespmem:$0x18100] =	vst v63  }
0x5b: {  	s22 =	simm.s32 $0xA100  }
0x5c: {  	[tilespmem:s22], [sflag:$0x1] =	stream.indirect_vreg.gather [hbm4b:s7+s2], $0x80, v4, vm0, $0xb8;
	[tilespmem:$0x18100] =	vst v63  }
0x5d: {  	s23 =	simm.s32 $0xA900  }
0x5e: {  	[tilespmem:s23], [sflag:$0x1] =	stream.indirect_vreg.gather [hbm4b:s3+s2], $0x80, v3, vm0, $0xb8;
	[tilespmem:$0x18100] =	vst v63  }
0x5f: {  	s24 =	simm.s32 $0xB100  }
0x60: {  	[tilespmem:s24], [sflag:$0x1] =	stream.indirect_vreg.gather [hbm4b:s6+s2], $0x80, v3, vm0, $0xb8;
	[tilespmem:$0x18100] =	vst v63  }
0x61: {  	s25 =	simm.s32 $0xB900  }
0x62: {  	[tilespmem:s25], [sflag:$0x1] =	stream.indirect_vreg.gather [hbm4b:s7+s2], $0x80, v3, vm0, $0xb8;
	[tilespmem:$0x18100] =	vst v63  }
0x63: {  	v3 =	vld [tilespmem:$0x80];
	_ =	sdelay $0x4  }
0x64: {  	v4 =	vshrl.u32 v3, $0x3  }
0x65: {  	v4 =	vmul.u32 $0x30, v4  }
0x66: {  	v3 =	vand.u32 $0x7, v3  }
0x67: {  	v3 =	vor.u32 v3, v4  }
0x68: {  	v4 =	vperm.xlane v3, v0;
	_ =	sdelay $0x1  }
0x69: {  	v4 =	vadd.s32 v1, v4;
	_ =	sdelay $0x3  }
0x6a: {  	s22 =	simm.s32 $0xC100;
	v3 =	vperm.xlane v3, v2  }
0x6b: {  	[tilespmem:s22], [sflag:$0x2] =	stream.indirect_vreg.gather [hbm4b:s3+s2], $0x80, v4, vm0, $0xb8;
	[tilespmem:$0x18100] =	vst v63  }
0x6c: {  	s23 =	simm.s32 $0xC900;
	v3 =	vadd.s32 v1, v3  }
0x6d: {  	[tilespmem:s23], [sflag:$0x2] =	stream.indirect_vreg.gather [hbm4b:s6+s2], $0x80, v4, vm0, $0xb8;
	[tilespmem:$0x18100] =	vst v63  }
0x6e: {  	s24 =	simm.s32 $0xD100  }
0x6f: {  	[tilespmem:s24], [sflag:$0x2] =	stream.indirect_vreg.gather [hbm4b:s7+s2], $0x80, v4, vm0, $0xb8;
	[tilespmem:$0x18100] =	vst v63  }
0x70: {  	s25 =	simm.s32 $0xD900  }
0x71: {  	[tilespmem:s25], [sflag:$0x2] =	stream.indirect_vreg.gather [hbm4b:s3+s2], $0x80, v3, vm0, $0xb8;
	[tilespmem:$0x18100] =	vst v63  }
0x72: {  	s22 =	simm.s32 $0xE100  }
0x73: {  	[tilespmem:s22], [sflag:$0x2] =	stream.indirect_vreg.gather [hbm4b:s6+s2], $0x80, v3, vm0, $0xb8;
	[tilespmem:$0x18100] =	vst v63  }
0x74: {  	s23 =	simm.s32 $0xE900  }
0x75: {  	[tilespmem:s23], [sflag:$0x2] =	stream.indirect_vreg.gather [hbm4b:s7+s2], $0x80, v3, vm0, $0xb8;
	[tilespmem:$0x18100] =	vst v63  }
0x76: {  	v3 =	vld [tilespmem:$0x90];
	_ =	sdelay $0x4  }
0x77: {  	v4 =	vshrl.u32 v3, $0x3  }
0x78: {  	v4 =	vmul.u32 $0x30, v4  }
0x79: {  	v3 =	vand.u32 $0x7, v3  }
0x7a: {  	v3 =	vor.u32 v3, v4  }
0x7b: {  	v4 =	vperm.xlane v3, v0;
	_ =	sdelay $0x1  }
0x7c: {  	v4 =	vadd.s32 v1, v4;
	_ =	sdelay $0x3  }
0x7d: {  	s24 =	simm.s32 $0xF100;
	v3 =	vperm.xlane v3, v2  }
0x7e: {  	[tilespmem:s24], [sflag:$0x2] =	stream.indirect_vreg.gather [hbm4b:s3+s2], $0x80, v4, vm0, $0xb8;
	[tilespmem:$0x18100] =	vst v63  }
0x7f: {  	s25 =	simm.s32 $0xF900;
	v3 =	vadd.s32 v1, v3  }
0x80: {  	[tilespmem:s25], [sflag:$0x2] =	stream.indirect_vreg.gather [hbm4b:s6+s2], $0x80, v4, vm0, $0xb8;
	[tilespmem:$0x18100] =	vst v63  }
0x81: {  	s22 =	simm.s32 $0x10100  }
0x82: {  	[tilespmem:s22], [sflag:$0x2] =	stream.indirect_vreg.gather [hbm4b:s7+s2], $0x80, v4, vm0, $0xb8;
	[tilespmem:$0x18100] =	vst v63  }
0x83: {  	s23 =	simm.s32 $0x10900  }
0x84: {  	[tilespmem:s23], [sflag:$0x2] =	stream.indirect_vreg.gather [hbm4b:s3+s2], $0x80, v3, vm0, $0xb8;
	[tilespmem:$0x18100] =	vst v63  }
0x85: {  	s24 =	simm.s32 $0x11100  }
0x86: {  	[tilespmem:s24], [sflag:$0x2] =	stream.indirect_vreg.gather [hbm4b:s6+s2], $0x80, v3, vm0, $0xb8;
	[tilespmem:$0x18100] =	vst v63  }
0x87: {  	_ = 	snop  }
0x88: {  	[tilespmem:s26], [sflag:$0x2] =	stream.indirect_vreg.gather [hbm4b:s7+s2], $0x80, v3, vm0, $0xb8;
	[tilespmem:$0x18100] =	vst v63  }
0x89: {  	v3 =	vld [tilespmem:$0xA0];
	_ =	sdelay $0x4  }
0x8a: {  	v4 =	vshrl.u32 v3, $0x3  }
0x8b: {  	v4 =	vmul.u32 $0x30, v4  }
0x8c: {  	v3 =	vand.u32 $0x7, v3  }
0x8d: {  	v3 =	vor.u32 v3, v4  }
0x8e: {  	v4 =	vperm.xlane v3, v0;
	_ =	sdelay $0x1  }
0x8f: {  	v4 =	vadd.s32 v1, v4;
	_ =	sdelay $0x3  }
0x90: {  	v3 =	vperm.xlane v3, v2  }
0x91: {  	[tilespmem:s28], [sflag:$0x2] =	stream.indirect_vreg.gather [hbm4b:s3+s2], $0x80, v4, vm0, $0xb8;
	[tilespmem:$0x18100] =	vst v63  }
0x92: {  	v3 =	vadd.s32 v1, v3  }
0x93: {  	[tilespmem:s29], [sflag:$0x2] =	stream.indirect_vreg.gather [hbm4b:s6+s2], $0x80, v4, vm0, $0xb8;
	[tilespmem:$0x18100] =	vst v63  }
0x94: {  	_ = 	snop  }
0x95: {  	[tilespmem:s30], [sflag:$0x2] =	stream.indirect_vreg.gather [hbm4b:s7+s2], $0x80, v4, vm0, $0xb8;
	[tilespmem:$0x18100] =	vst v63  }
0x96: {  	_ = 	snop  }
0x97: {  	[tilespmem:s31], [sflag:$0x2] =	stream.indirect_vreg.gather [hbm4b:s3+s2], $0x80, v3, vm0, $0xb8;
	[tilespmem:$0x18100] =	vst v63  }
0x98: {  	_ = 	snop  }
0x99: {  	[tilespmem:s1], [sflag:$0x2] =	stream.indirect_vreg.gather [hbm4b:s6+s2], $0x80, v3, vm0, $0xb8;
	[tilespmem:$0x18100] =	vst v63  }
0x9a: {  	_ = 	snop  }
0x9b: {  	[tilespmem:s0], [sflag:$0x2] =	stream.indirect_vreg.gather [hbm4b:s7+s2], $0x80, v3, vm0, $0xb8;
	[tilespmem:$0x18100] =	vst v63  }
0x9c: {  	v3 =	vld [tilespmem:$0xB0];
	_ =	sdelay $0x4  }
0x9d: {  	v4 =	vshrl.u32 v3, $0x3  }
0x9e: {  	v4 =	vmul.u32 $0x30, v4  }
0x9f: {  	v3 =	vand.u32 $0x7, v3  }
0xa0: {  	v3 =	vor.u32 v3, v4  }
0xa1: {  	v4 =	vperm.xlane v3, v0;
	_ =	sdelay $0x1  }
0xa2: {  	v4 =	vadd.s32 v1, v4;
	_ =	sdelay $0x3  }
0xa3: {  	v3 =	vperm.xlane v3, v2  }
0xa4: {  	[tilespmem:s11], [sflag:$0x2] =	stream.indirect_vreg.gather [hbm4b:s3+s2], $0x80, v4, vm0, $0xb8;
	[tilespmem:$0x18100] =	vst v63  }
0xa5: {  	v3 =	vadd.s32 v1, v3  }
0xa6: {  	[tilespmem:s13], [sflag:$0x2] =	stream.indirect_vreg.gather [hbm4b:s6+s2], $0x80, v4, vm0, $0xb8;
	[tilespmem:$0x18100] =	vst v63  }
0xa7: {  	_ = 	snop  }
0xa8: {  	[tilespmem:s14], [sflag:$0x2] =	stream.indirect_vreg.gather [hbm4b:s7+s2], $0x80, v4, vm0, $0xb8;
	[tilespmem:$0x18100] =	vst v63  }
0xa9: {  	_ = 	snop  }
0xaa: {  	[tilespmem:s15], [sflag:$0x2] =	stream.indirect_vreg.gather [hbm4b:s3+s2], $0x80, v3, vm0, $0xb8;
	[tilespmem:$0x18100] =	vst v63  }
0xab: {  	_ = 	snop  }
0xac: {  	[tilespmem:s16], [sflag:$0x2] =	stream.indirect_vreg.gather [hbm4b:s6+s2], $0x80, v3, vm0, $0xb8;
	[tilespmem:$0x18100] =	vst v63  }
0xad: {  	_ = 	snop  }
0xae: {  	[tilespmem:s17], [sflag:$0x2] =	stream.indirect_vreg.gather [hbm4b:s7+s2], $0x80, v3, vm0, $0xb8;
	[tilespmem:$0x18100] =	vst v63  }
0xaf: {  	_ =	swait.ge [sflag:s18], $0xC000  }
0xb0: {  	[sflag:s18] =	ssyncset.done $0x0  }
0xb1: {  	s25 =	simm.s32 $0x0;
	[sflag:s18] =	ssyncadd.s32 $0xFFFF4000  }
0xb2: {  	s21 =	smul.u32 $0x1800, s25;
	_ =	swait.ge [sflag:s19], $0xC000  }
0xb3: {  	s22 =	sand.u32 $0x380, s2;
	[sflag:s19] =	ssyncset.done $0x0  }
0xb4: {  	s21 =	sor.u32 s22, s21;
	[sflag:s19] =	ssyncadd.s32 $0xFFFF4000  }
0xb5: {  	v12 =	vld [tilespmem:s21+$0xC100]  }
0xb6: {  	v13 =	vld [tilespmem:s21+$0xC110]  }
0xb7: {  	v14 =	vld [tilespmem:s21+$0xC120]  }
0xb8: {  	v15 =	vld [tilespmem:s21+$0xC130]  }
0xb9: {  	v16 =	vld [tilespmem:s21+$0xC140]  }
0xba: {  	v17 =	vld [tilespmem:s21+$0xC150]  }
0xbb: {  	v18 =	vld [tilespmem:s21+$0xC160]  }
0xbc: {  	v19 =	vld [tilespmem:s21+$0xC170]  }
0xbd: {  	v20 =	vld [tilespmem:s21+$0xC500]  }
0xbe: {  	v21 =	vld [tilespmem:s21+$0xC510]  }
0xbf: {  	v22 =	vld [tilespmem:s21+$0xC520]  }
0xc0: {  	v23 =	vld [tilespmem:s21+$0xC530]  }
0xc1: {  	v24 =	vld [tilespmem:s21+$0xC540]  }
0xc2: {  	v25 =	vld [tilespmem:s21+$0xC550]  }
0xc3: {  	v26 =	vld [tilespmem:s21+$0xC560]  }
0xc4: {  	v27 =	vld [tilespmem:s21+$0xC570]  }
0xc5: {  	v28 =	vld [tilespmem:s21+$0xC900]  }
0xc6: {  	v29 =	vld [tilespmem:s21+$0xC910]  }
0xc7: {  	v30 =	vld [tilespmem:s21+$0xC920]  }
0xc8: {  	v31 =	vld [tilespmem:s21+$0xC930]  }
0xc9: {  	v32 =	vld [tilespmem:s21+$0xC940]  }
0xca: {  	v33 =	vld [tilespmem:s21+$0xC950]  }
0xcb: {  	v34 =	vld [tilespmem:s21+$0xC960]  }
0xcc: {  	v35 =	vld [tilespmem:s21+$0xC970]  }
0xcd: {  	v36 =	vld [tilespmem:s21+$0xCD00]  }
0xce: {  	v37 =	vld [tilespmem:s21+$0xCD10]  }
0xcf: {  	v38 =	vld [tilespmem:s21+$0xCD20]  }
0xd0: {  	v39 =	vld [tilespmem:s21+$0xCD30]  }
0xd1: {  	v40 =	vld [tilespmem:s21+$0xCD40]  }
0xd2: {  	v41 =	vld [tilespmem:s21+$0xCD50]  }
0xd3: {  	v42 =	vld [tilespmem:s21+$0xCD60]  }
0xd4: {  	v43 =	vld [tilespmem:s21+$0xCD70]  }
0xd5: {  	v44 =	vld [tilespmem:s21+$0xD100]  }
0xd6: {  	v45 =	vld [tilespmem:s21+$0xD110]  }
0xd7: {  	v46 =	vld [tilespmem:s21+$0xD120]  }
0xd8: {  	v47 =	vld [tilespmem:s21+$0xD130]  }
0xd9: {  	v48 =	vld [tilespmem:s21+$0xD140]  }
0xda: {  	v49 =	vld [tilespmem:s21+$0xD150]  }
0xdb: {  	v50 =	vld [tilespmem:s21+$0xD160]  }
0xdc: {  	v11 =	vld [tilespmem:s21+$0xD170]  }
0xdd: {  	v10 =	vld [tilespmem:s21+$0xD500]  }
0xde: {  	v9 =	vld [tilespmem:s21+$0xD510]  }
0xdf: {  	v8 =	vld [tilespmem:s21+$0xD520]  }
0xe0: {  	v7 =	vld [tilespmem:s21+$0xD530]  }
0xe1: {  	v6 =	vld [tilespmem:s21+$0xD540]  }
0xe2: {  	v51 =	vld [tilespmem:s21+$0x100]  }
0xe3: {  	v52 =	vld [tilespmem:s21+$0x110]  }
0xe4: {  	v53 =	vld [tilespmem:s21+$0x120]  }
0xe5: {  	v54 =	vld [tilespmem:s21+$0x130]  }
0xe6: {  	v55 =	vld [tilespmem:s21+$0x140]  }
0xe7: {  	v62 =	vld [tilespmem:s21+$0x150];
	v12 =	vadd.f32 v12, v51  }
0xe8: {  	v63 =	vld [tilespmem:s21+$0x160];
	v13 =	vadd.f32 v13, v52  }
0xe9: {  	[tilespmem:s21+$0x100] =	vst v12;
	v12 =	vadd.f32 v14, v53;
	v14 =	vld [tilespmem:s21+$0x170]  }
0xea: {  	[tilespmem:s21+$0x110] =	vst v13;
	v13 =	vadd.f32 v15, v54;
	v15 =	vld [tilespmem:s21+$0x500]  }
0xeb: {  	[tilespmem:s21+$0x120] =	vst v12;
	v12 =	vadd.f32 v16, v55;
	v16 =	vld [tilespmem:s21+$0x510]  }
0xec: {  	[tilespmem:s21+$0x130] =	vst v13;
	v13 =	vadd.f32 v17, v62;
	v17 =	vld [tilespmem:s21+$0x520]  }
0xed: {  	v5 =	vld [tilespmem:s21+$0xD550]  }
0xee: {  	[tilespmem:s21+$0x140] =	vst v12;
	v12 =	vadd.f32 v18, v63;
	v18 =	vld [tilespmem:s21+$0x570]  }
0xef: {  	[tilespmem:s21+$0x150] =	vst v13;
	v13 =	vadd.f32 v19, v14;
	v14 =	vld [tilespmem:s21+$0x530]  }
0xf0: {  	[tilespmem:s21+$0x160] =	vst v12;
	v12 =	vadd.f32 v20, v15;
	v15 =	vld [tilespmem:s21+$0x540]  }
0xf1: {  	[tilespmem:s21+$0x170] =	vst v13;
	v13 =	vadd.f32 v21, v16;
	v16 =	vadd.f32 v22, v17;
	v17 =	vld [tilespmem:s21+$0x560]  }
0xf2: {  	[tilespmem:s21+$0x500] =	vst v12;
	v12 =	vld [tilespmem:s21+$0x550]  }
0xf3: {  	[tilespmem:s21+$0x510] =	vst v13;
	v13 =	vld [tilespmem:s21+$0x900];
	v18 =	vadd.f32 v27, v18  }
0xf4: {  	[tilespmem:s21+$0x520] =	vst v16;
	v16 =	vld [tilespmem:s21+$0x910];
	v14 =	vadd.f32 v23, v14  }
0xf5: {  	v4 =	vld [tilespmem:s21+$0xD560];
	v15 =	vadd.f32 v24, v15;
	[tilespmem:s21+$0x570] =	vst v18  }
0xf6: {  	[tilespmem:s21+$0x530] =	vst v14;
	v14 =	vld [tilespmem:s21+$0x920];
	v17 =	vadd.f32 v26, v17  }
0xf7: {  	v12 =	vadd.f32 v25, v12;
	[tilespmem:s21+$0x540] =	vst v15;
	v15 =	vld [tilespmem:s21+$0x930]  }
0xf8: {  	v18 =	vld [tilespmem:s21+$0x970];
	[tilespmem:s21+$0x560] =	vst v17;
	v13 =	vadd.f32 v28, v13  }
0xf9: {  	v16 =	vadd.f32 v29, v16;
	[tilespmem:s21+$0x550] =	vst v12;
	v12 =	vld [tilespmem:s21+$0x940]  }
0xfa: {  	v17 =	vld [tilespmem:s21+$0x950];
	[tilespmem:s21+$0x900] =	vst v13  }
0xfb: {  	[tilespmem:s21+$0x910] =	vst v16;
	v16 =	vld [tilespmem:s21+$0x960];
	v13 =	vadd.f32 v30, v14  }
0xfc: {  	v14 =	vld [tilespmem:s21+$0xD00];
	v15 =	vadd.f32 v31, v15  }
0xfd: {  	[tilespmem:s21+$0x920] =	vst v13;
	v13 =	vld [tilespmem:s21+$0xD10]  }
0xfe: {  	v12 =	vadd.f32 v32, v12;
	[tilespmem:s21+$0x930] =	vst v15;
	v15 =	vld [tilespmem:s21+$0xD20]  }
0xff: {  	v3 =	vld [tilespmem:s21+$0xD570];
	v17 =	vadd.f32 v33, v17  }
0x100: {  	v16 =	vadd.f32 v34, v16;
	[tilespmem:s21+$0x940] =	vst v12;
	v12 =	vld [tilespmem:s21+$0xD30]  }
0x101: {  	[tilespmem:s21+$0x950] =	vst v17;
	v17 =	vld [tilespmem:s21+$0xD40];
	v14 =	vadd.f32 v36, v14  }
0x102: {  	v18 =	vadd.f32 v35, v18;
	[tilespmem:s21+$0x960] =	vst v16;
	v16 =	vld [tilespmem:s21+$0xD50]  }
0x103: {  	v13 =	vadd.f32 v37, v13;
	[tilespmem:s21+$0xD00] =	vst v14;
	v14 =	vadd.f32 v38, v15;
	v15 =	vld [tilespmem:s21+$0xD60]  }
0x104: {  	[tilespmem:s21+$0x970] =	vst v18;
	v18 =	vld [tilespmem:s21+$0xD70]  }
0x105: {  	[tilespmem:s21+$0xD10] =	vst v13;
	v13 =	vld [tilespmem:s21+$0x1100];
	v12 =	vadd.f32 v39, v12  }
0x106: {  	v17 =	vadd.f32 v40, v17;
	[tilespmem:s21+$0xD20] =	vst v14;
	v14 =	vld [tilespmem:s21+$0x1110]  }
0x107: {  	v16 =	vadd.f32 v41, v16;
	[tilespmem:s21+$0xD30] =	vst v12;
	v12 =	vld [tilespmem:s21+$0x1120]  }
0x108: {  	[tilespmem:s21+$0xD40] =	vst v17;
	v17 =	vld [tilespmem:s21+$0x1130];
	v15 =	vadd.f32 v42, v15  }
0x109: {  	v19 =	vld [tilespmem:s21+$0x1140];
	[tilespmem:s21+$0xD50] =	vst v16;
	v16 =	vadd.f32 v43, v18  }
0x10a: {  	v18 =	vld [tilespmem:s21+$0x1150];
	v13 =	vadd.f32 v44, v13;
	[tilespmem:s21+$0xD60] =	vst v15  }
0x10b: {  	v20 =	vld [tilespmem:s21+$0x1160];
	[tilespmem:s21+$0xD70] =	vst v16;
	v14 =	vadd.f32 v45, v14  }
0x10c: {  	v16 =	vld [tilespmem:s21+$0x1170];
	[tilespmem:s21+$0x1100] =	vst v13;
	v12 =	vadd.f32 v46, v12  }
0x10d: {  	v15 =	vld [tilespmem:s21+$0x1500];
	v13 =	vadd.f32 v47, v17;
	[tilespmem:s21+$0x1110] =	vst v14  }
0x10e: {  	v14 =	vld [tilespmem:s21+$0x1510];
	[tilespmem:s21+$0x1120] =	vst v12;
	v12 =	vadd.f32 v48, v19  }
0x10f: {  	[tilespmem:s21+$0x1130] =	vst v13;
	v13 =	vld [tilespmem:s21+$0x1520];
	v18 =	vadd.f32 v49, v18  }
0x110: {  	s22 =	simm.s32 $0x1;
	s23 =	simm.s32 $0x0;
	v17 =	vadd.f32 v50, v20;
	[tilespmem:s21+$0x1140] =	vst v12;
	v12 =	vld [tilespmem:s21+$0x1530]  }
.LBB2_2:
0x111: {  	s24 =	sshrl.u32 s22, $0x3;
	p0 =	sne.s32 s22, $0x3F;
	[tilespmem:s21+$0x1150] =	vst v18;
	v11 =	vadd.f32 v11, v16;
	v16 =	vld [tilespmem:s21+$0x1540]  }
0x112: {  	s23 =	sadd.s32 $0x80, s23;
	s24 =	smul.u32 $0x1800, s24;
	[tilespmem:s21+$0x1160] =	vst v17;
	v10 =	vadd.f32 v10, v15;
	v15 =	vld [tilespmem:s21+$0x1550]  }
0x113: {  	s25 =	sand.u32 $0x380, s23;
	[tilespmem:s21+$0x1170] =	vst v11;
	v9 =	vadd.f32 v9, v14;
	v11 =	vld [tilespmem:s21+$0x1560]  }
0x114: {  	s24 =	sor.u32 s25, s24;
	[tilespmem:s21+$0x1500] =	vst v10;
	v8 =	vadd.f32 v8, v13;
	v10 =	vld [tilespmem:s21+$0x1570]  }
0x115: {  	v39 =	vld [tilespmem:s24+$0xC100];
	[tilespmem:s21+$0x1510] =	vst v9;
	v7 =	vadd.f32 v7, v12  }
0x116: {  	v40 =	vld [tilespmem:s24+$0xC110];
	[tilespmem:s21+$0x1520] =	vst v8;
	v6 =	vadd.f32 v6, v16  }
0x117: {  	v41 =	vld [tilespmem:s24+$0xC120];
	[tilespmem:s21+$0x1530] =	vst v7;
	v5 =	vadd.f32 v5, v15  }
0x118: {  	v42 =	vld [tilespmem:s24+$0xC130];
	[tilespmem:s21+$0x1540] =	vst v6;
	v4 =	vadd.f32 v4, v11  }
0x119: {  	v43 =	vld [tilespmem:s24+$0xC140];
	[tilespmem:s21+$0x1550] =	vst v5;
	v3 =	vadd.f32 v3, v10  }
0x11a: {  	v44 =	vld [tilespmem:s24+$0xC150];
	[tilespmem:s21+$0x1560] =	vst v4  }
0x11b: {  	v45 =	vld [tilespmem:s24+$0xC160];
	[tilespmem:s21+$0x1570] =	vst v3;
	s21 =	smov.u32 s24  }
0x11c: {  	v46 =	vld [tilespmem:s21+$0xC170]  }
0x11d: {  	v47 =	vld [tilespmem:s21+$0xC500]  }
0x11e: {  	v48 =	vld [tilespmem:s21+$0xC510]  }
0x11f: {  	v49 =	vld [tilespmem:s21+$0xC520]  }
0x120: {  	v50 =	vld [tilespmem:s21+$0xC530]  }
0x121: {  	v38 =	vld [tilespmem:s21+$0xC540]  }
0x122: {  	v37 =	vld [tilespmem:s21+$0xC550]  }
0x123: {  	v36 =	vld [tilespmem:s21+$0xC560]  }
0x124: {  	v35 =	vld [tilespmem:s21+$0xC570]  }
0x125: {  	v34 =	vld [tilespmem:s21+$0xC900]  }
0x126: {  	v33 =	vld [tilespmem:s21+$0xC910]  }
0x127: {  	v32 =	vld [tilespmem:s21+$0xC920]  }
0x128: {  	v31 =	vld [tilespmem:s21+$0xC930]  }
0x129: {  	v30 =	vld [tilespmem:s21+$0xC940]  }
0x12a: {  	v29 =	vld [tilespmem:s21+$0xC950]  }
0x12b: {  	v28 =	vld [tilespmem:s21+$0xC960]  }
0x12c: {  	v27 =	vld [tilespmem:s21+$0xC970]  }
0x12d: {  	v26 =	vld [tilespmem:s21+$0xCD00]  }
0x12e: {  	v25 =	vld [tilespmem:s21+$0xCD10]  }
0x12f: {  	v24 =	vld [tilespmem:s21+$0xCD20]  }
0x130: {  	v23 =	vld [tilespmem:s21+$0xCD30]  }
0x131: {  	v22 =	vld [tilespmem:s21+$0xCD40]  }
0x132: {  	v21 =	vld [tilespmem:s21+$0xCD50]  }
0x133: {  	v20 =	vld [tilespmem:s21+$0xCD60]  }
0x134: {  	v19 =	vld [tilespmem:s21+$0xCD70]  }
0x135: {  	v18 =	vld [tilespmem:s21+$0xD100]  }
0x136: {  	v17 =	vld [tilespmem:s21+$0xD110]  }
0x137: {  	v16 =	vld [tilespmem:s21+$0xD120]  }
0x138: {  	v15 =	vld [tilespmem:s21+$0xD130]  }
0x139: {  	v14 =	vld [tilespmem:s21+$0xD140]  }
0x13a: {  	v13 =	vld [tilespmem:s21+$0xD150]  }
0x13b: {  	v12 =	vld [tilespmem:s21+$0xD160]  }
0x13c: {  	v11 =	vld [tilespmem:s21+$0xD170]  }
0x13d: {  	v10 =	vld [tilespmem:s21+$0xD500]  }
0x13e: {  	v9 =	vld [tilespmem:s21+$0xD510]  }
0x13f: {  	v8 =	vld [tilespmem:s21+$0xD520]  }
0x140: {  	v7 =	vld [tilespmem:s21+$0xD530]  }
0x141: {  	v6 =	vld [tilespmem:s21+$0xD540]  }
0x142: {  	v5 =	vld [tilespmem:s21+$0xD550]  }
0x143: {  	v4 =	vld [tilespmem:s21+$0xD560]  }
0x144: {  	v3 =	vld [tilespmem:s21+$0xD570]  }
0x145: {  	v51 =	vld [tilespmem:s21+$0x100]  }
0x146: {  	v52 =	vld [tilespmem:s21+$0x110]  }
0x147: {  	v53 =	vld [tilespmem:s21+$0x120]  }
0x148: {  	v54 =	vld [tilespmem:s21+$0x130]  }
0x149: {  	v55 =	vld [tilespmem:s21+$0x140]  }
0x14a: {  	v39 =	vadd.f32 v39, v51;
	v51 =	vld [tilespmem:s21+$0x150]  }
0x14b: {  	v40 =	vadd.f32 v40, v52;
	v52 =	vld [tilespmem:s21+$0x160]  }
0x14c: {  	[tilespmem:s21+$0x100] =	vst v39;
	v39 =	vadd.f32 v41, v53;
	v41 =	vld [tilespmem:s21+$0x170]  }
0x14d: {  	[tilespmem:s21+$0x110] =	vst v40;
	v40 =	vadd.f32 v42, v54;
	v42 =	vld [tilespmem:s21+$0x500]  }
0x14e: {  	[tilespmem:s21+$0x120] =	vst v39;
	v39 =	vadd.f32 v43, v55;
	v43 =	vld [tilespmem:s21+$0x510]  }
0x14f: {  	[tilespmem:s21+$0x130] =	vst v40;
	v40 =	vadd.f32 v44, v51;
	v44 =	vld [tilespmem:s21+$0x520]  }
0x150: {  	[tilespmem:s21+$0x140] =	vst v39;
	v39 =	vadd.f32 v45, v52;
	v45 =	vld [tilespmem:s21+$0x530]  }
0x151: {  	[tilespmem:s21+$0x150] =	vst v40;
	v40 =	vadd.f32 v46, v41;
	v41 =	vld [tilespmem:s21+$0x540]  }
0x152: {  	[tilespmem:s21+$0x160] =	vst v39;
	v39 =	vadd.f32 v47, v42;
	v42 =	vld [tilespmem:s21+$0x550]  }
0x153: {  	[tilespmem:s21+$0x170] =	vst v40;
	v40 =	vadd.f32 v48, v43;
	v43 =	vld [tilespmem:s21+$0x560]  }
0x154: {  	[tilespmem:s21+$0x500] =	vst v39;
	v39 =	vadd.f32 v49, v44;
	v44 =	vld [tilespmem:s21+$0x570]  }
0x155: {  	[tilespmem:s21+$0x510] =	vst v40;
	v40 =	vadd.f32 v50, v45;
	v45 =	vld [tilespmem:s21+$0x900]  }
0x156: {  	[tilespmem:s21+$0x520] =	vst v39;
	v38 =	vadd.f32 v38, v41;
	v39 =	vld [tilespmem:s21+$0x910]  }
0x157: {  	[tilespmem:s21+$0x530] =	vst v40;
	v37 =	vadd.f32 v37, v42;
	v40 =	vld [tilespmem:s21+$0x920]  }
0x158: {  	[tilespmem:s21+$0x540] =	vst v38;
	v36 =	vadd.f32 v36, v43;
	v38 =	vld [tilespmem:s21+$0x930]  }
0x159: {  	[tilespmem:s21+$0x550] =	vst v37;
	v35 =	vadd.f32 v35, v44;
	v37 =	vld [tilespmem:s21+$0x940]  }
0x15a: {  	[tilespmem:s21+$0x560] =	vst v36;
	v34 =	vadd.f32 v34, v45;
	v36 =	vld [tilespmem:s21+$0x950]  }
0x15b: {  	[tilespmem:s21+$0x570] =	vst v35;
	v33 =	vadd.f32 v33, v39;
	v35 =	vld [tilespmem:s21+$0x960]  }
0x15c: {  	[tilespmem:s21+$0x900] =	vst v34;
	v32 =	vadd.f32 v32, v40;
	v34 =	vld [tilespmem:s21+$0x970]  }
0x15d: {  	[tilespmem:s21+$0x910] =	vst v33;
	v31 =	vadd.f32 v31, v38;
	v33 =	vld [tilespmem:s21+$0xD00]  }
0x15e: {  	[tilespmem:s21+$0x920] =	vst v32;
	v30 =	vadd.f32 v30, v37;
	v32 =	vld [tilespmem:s21+$0xD10]  }
0x15f: {  	[tilespmem:s21+$0x930] =	vst v31;
	v29 =	vadd.f32 v29, v36;
	v31 =	vld [tilespmem:s21+$0xD20]  }
0x160: {  	[tilespmem:s21+$0x940] =	vst v30;
	v28 =	vadd.f32 v28, v35;
	v30 =	vld [tilespmem:s21+$0xD30]  }
0x161: {  	[tilespmem:s21+$0x950] =	vst v29;
	v27 =	vadd.f32 v27, v34;
	v29 =	vld [tilespmem:s21+$0xD40]  }
0x162: {  	[tilespmem:s21+$0x960] =	vst v28;
	v26 =	vadd.f32 v26, v33;
	v28 =	vld [tilespmem:s21+$0xD50]  }
0x163: {  	[tilespmem:s21+$0x970] =	vst v27;
	v25 =	vadd.f32 v25, v32;
	v27 =	vld [tilespmem:s21+$0xD60]  }
0x164: {  	[tilespmem:s21+$0xD00] =	vst v26;
	v24 =	vadd.f32 v24, v31;
	v26 =	vld [tilespmem:s21+$0xD70]  }
0x165: {  	[tilespmem:s21+$0xD10] =	vst v25;
	v23 =	vadd.f32 v23, v30;
	v25 =	vld [tilespmem:s21+$0x1100]  }
0x166: {  	[tilespmem:s21+$0xD20] =	vst v24;
	v22 =	vadd.f32 v22, v29;
	v24 =	vld [tilespmem:s21+$0x1110]  }
0x167: {  	[tilespmem:s21+$0xD30] =	vst v23;
	v21 =	vadd.f32 v21, v28;
	v23 =	vld [tilespmem:s21+$0x1120]  }
0x168: {  	[tilespmem:s21+$0xD40] =	vst v22;
	v20 =	vadd.f32 v20, v27;
	v22 =	vld [tilespmem:s21+$0x1130]  }
0x169: {  	[tilespmem:s21+$0xD50] =	vst v21;
	v19 =	vadd.f32 v19, v26;
	v21 =	vld [tilespmem:s21+$0x1140]  }
0x16a: {  	[tilespmem:s21+$0xD60] =	vst v20;
	v18 =	vadd.f32 v18, v25;
	v20 =	vld [tilespmem:s21+$0x1150]  }
0x16b: {  	[tilespmem:s21+$0xD70] =	vst v19;
	v17 =	vadd.f32 v17, v24;
	v19 =	vld [tilespmem:s21+$0x1160]  }
.Ltmp0:
0x16c: {  	[tilespmem:s21+$0x1100] =	vst v18;
	v18 =	vadd.f32 v16, v23;
	v16 =	vld [tilespmem:s21+$0x1170];
	(pc) =	sbr.rel @p0 .LBB2_2-.Ltmp0, $4  }
0x16d: {  	[tilespmem:s21+$0x1110] =	vst v17;
	v17 =	vadd.f32 v15, v22;
	v15 =	vld [tilespmem:s21+$0x1500]  }
0x16e: {  	[tilespmem:s21+$0x1120] =	vst v18;
	v21 =	vadd.f32 v14, v21;
	v14 =	vld [tilespmem:s21+$0x1510]  }
0x16f: {  	[tilespmem:s21+$0x1130] =	vst v17;
	v18 =	vadd.f32 v13, v20;
	v13 =	vld [tilespmem:s21+$0x1520]  }
0x170: {  	s22 =	sadd.s32 $0x1, s22;
	[tilespmem:s21+$0x1140] =	vst v21;
	v17 =	vadd.f32 v12, v19;
	v12 =	vld [tilespmem:s21+$0x1530]  }
0x171: {  	[tilespmem:s21+$0x1150] =	vst v18;
	v60 =	vld [tilespmem:s21+$0x1540];
	v11 =	vadd.f32 v11, v16  }
0x172: {  	v61 =	vld [tilespmem:s21+$0x1550];
	[tilespmem:s21+$0x1160] =	vst v17;
	v10 =	vadd.f32 v10, v15  }
0x173: {  	v62 =	vld [tilespmem:s21+$0x1560];
	[tilespmem:s21+$0x1170] =	vst v11;
	v9 =	vadd.f32 v9, v14  }
0x174: {  	v63 =	vld [tilespmem:s21+$0x1570];
	[tilespmem:s21+$0x1500] =	vst v10;
	v8 =	vadd.f32 v8, v13  }
0x175: {  	[tilespmem:s21+$0x1510] =	vst v9;
	v7 =	vadd.f32 v7, v12  }
0x176: {  	[tilespmem:s21+$0x1520] =	vst v8;
	v6 =	vadd.f32 v6, v60  }
0x177: {  	v5 =	vadd.f32 v5, v61;
	[tilespmem:s21+$0x1530] =	vst v7  }
0x178: {  	v4 =	vadd.f32 v4, v62;
	[tilespmem:s21+$0x1540] =	vst v6  }
0x179: {  	s20 =	sadd.s32 $0x1, s20;
	v3 =	vadd.f32 v3, v63;
	[tilespmem:s21+$0x1550] =	vst v5  }
0x17a: {  	p0 =	sne.s32 s20, s9;
	[tilespmem:s21+$0x1560] =	vst v4  }
.Ltmp1:
0x17b: {  	[tilespmem:s21+$0x1570] =	vst v3;
	(pc) =	sbr.rel @p0 .LBB2_1-.Ltmp1, $4  }
0x17c: {  	[hbm4b:s8+s2] =	stream.linear.scatter [tilespmem:s12], [sflag:$0x3], $0xC000, $0x38;
	[tilespmem:$0x18100] =	vst v63  }
0x17d: {  	_ =	swait.ge [sflag:s10], $0xC000  }
0x17e: {  	[sflag:s10] =	ssyncset.done $0x0  }
0x17f: {  	[sflag:s10] =	ssyncadd.s32 $0xFFFF4000  }
0x180: {  	_ =	sfence.sel $0x180000  }
0x181: {  	[bflag:$0x0] =	sbarrier.arrive $0xFFFF  }
0x182: {  	_ =	strace $0x90000047  }
0x183: {  	s0 =	stileid.u32;
	[bflag:$0x2] =	sbarrier.arrive $0xFFFF  }
0x184: {  	p0 =	sne.s32 s0, $0x0;
	s0 =	rddreg [dreg:$0x1]  }
0x185: {  	s0 =	sadd.s32 @!p0 $0x100000, s0  }
0x186: {  	[sflag:s0] =	ssyncadd.tile.s32 @!p0 $0x1;
	_ =	shalt  }
.Lfunc_end2:
_tile_overlayer_lowered:
.L_overlay_start_2:
0x187: {  	(tag) =	ssettag $0x2  }
0x188: {  	s0 =	rddreg [dreg:$0x0];
	s2 =	stileid.u32  }
0x189: {  	s1 =	rddreg [dreg:$0x1];
	p0 =	sne.s32 s2, $0x0  }
0x18a: {  	s3 =	rddreg [dreg:$0x2];
	[bflag:$0x3] =	sbarrier.arrive $0xFFFF;
	s2 =	simm.s32 @!p0 $0x1C03  }
0x18b: {  	[timem:s3], [sflag:s2] =	dma.local @!p0 [hbm:s0], s1  }
0x18c: {  	s0 =	simm.s32 @!p0 $0x3  }
0x18d: {  	_ =	swait.ge @!p0 [sflag:s0], s1  }
0x18e: {  	s1 =	ssub.s32 @!p0 $0x0, s1;
	[sflag:s0] =	ssyncset.done @!p0 $0x0  }
0x18f: {  	[sflag:s0] =	ssyncadd.s32 @!p0 s1  }
0x190: {  	[bflag:$0x3] =	sbarrier.arrive $0xFFFF  }
0x191: {  	_ =	shalt  }

</sc_bundles>
